<compile_context>
chip_gen: v7x
topology: tpu7x:2x2x1
jax: 0.10.2.dev20260603
libtpu: 0.0.44.dev20260713+nightly
codegen_flags: <defaults>
</compile_context>

<pallas_src>
import jax
import jax.numpy as jnp
from jax import lax
from jax.experimental import pallas as pl
from jax.experimental.pallas import tpu as pltpu
from jax.experimental.pallas import tpu_sc as plsc

_NC = 2
_NS = 16
_K = 128
_EPS = 1e-5


def _sc_scatter(y, ei, zeros):
    N, D = y.shape
    NCH = ei.shape[0] // (_NC * _NS * 2 * _K)
    Np = zeros.shape[0]
    RB = Np // _NS

    mesh = plsc.VectorSubcoreMesh(core_axis_name="c", subcore_axis_name="s")
    out_type = jax.ShapeDtypeStruct((_NC, Np, D), jnp.float32)
    scratch = [
        pltpu.VMEM((2, 2 * _K), jnp.int32),
        pltpu.VMEM((_K,), jnp.int32),
        pltpu.VMEM((2, _K, D), jnp.float32),
        pltpu.VMEM_SHARED((Np, D), jnp.float32),
        pltpu.SemaphoreType.DMA((2,)),
        pltpu.SemaphoreType.DMA((2,)),
    ]

    def body(y_hbm, ei_hbm, z_hbm, sout, land, dsc, rows, accum, isem, gsem):
        cid = lax.axis_index("c")
        sid = lax.axis_index("s")
        widx = cid * _NS + sid
        r0 = sid * RB
        last = NCH - 1

        def issue_idx(g):
            gc = jnp.minimum(g, last)
            e0 = (widx * NCH + gc) * (2 * _K)
            b = lax.rem(g, 2)
            pltpu.async_copy(ei_hbm.at[pl.ds(e0, 2 * _K)], land.at[b],
                             isem.at[b])

        def wait_idx(g):
            b = lax.rem(g, 2)
            pltpu.make_async_copy(ei_hbm.at[pl.ds(0, 2 * _K)], land.at[b],
                                  isem.at[b]).wait()

        def issue_gather(g):
            b = lax.rem(g, 2)
            pltpu.async_copy(y_hbm.at[land.at[b, pl.ds(0, _K)]], rows.at[b],
                             gsem.at[b])

        def wait_gather(g):
            b = lax.rem(g, 2)
            pltpu.make_async_copy(y_hbm.at[land.at[b, pl.ds(0, _K)]],
                                  rows.at[b], gsem.at[b]).wait()

        pltpu.sync_copy(z_hbm.at[pl.ds(r0, RB), :], accum.at[pl.ds(r0, RB), :])
        plsc.subcore_barrier()

        issue_idx(0)
        wait_idx(0)
        issue_gather(0)
        issue_idx(1)

        def step(g, carry):
            b = lax.rem(g, 2)
            wait_idx(g + 1)
            issue_gather(g + 1)
            for j in range(_K // 16):
                dsc[pl.ds(j * 16, 16)] = land[b, pl.ds(_K + j * 16, 16)]
            wait_gather(g)
            pltpu.sync_copy(rows.at[b], accum.at[dsc], add=True)
            issue_idx(g + 2)
            return carry
        lax.fori_loop(0, NCH, step, 0)

        wait_idx(NCH + 1)
        wait_gather(NCH)

        plsc.subcore_barrier()
        pltpu.sync_copy(accum.at[pl.ds(r0, RB), :],
                        sout.at[cid, pl.ds(r0, RB), :])

    k = pl.kernel(body, out_type=out_type, mesh=mesh, scratch_types=scratch)
    return k(y, ei, zeros)


def _sc_degree(ei, zeros, ones):
    NCH = ei.shape[0] // (_NC * _NS * 2 * _K)
    Np, D = zeros.shape
    RB = Np // _NS

    mesh = plsc.VectorSubcoreMesh(core_axis_name="c", subcore_axis_name="s")
    out_type = jax.ShapeDtypeStruct((_NC, Np, D), jnp.float32)
    scratch = [
        pltpu.VMEM((2, _K), jnp.int32),
        pltpu.VMEM((_K,), jnp.int32),
        pltpu.VMEM((_K,), jnp.int32),
        pltpu.VMEM((_K, D), jnp.float32),
        pltpu.VMEM_SHARED((Np, D), jnp.float32),
        pltpu.SemaphoreType.DMA((2,)),
        pltpu.SemaphoreType.DMA((2,)),
    ]

    def body(dst_hbm, z_hbm, ones_hbm, dout, dstv, dsc0, dsc1, onesv, dega,
             isem, ssem):
        cid = lax.axis_index("c")
        sid = lax.axis_index("s")
        widx = cid * _NS + sid
        r0 = sid * RB
        last = NCH - 1

        def issue_idx(g):
            gc = jnp.minimum(g, last)
            e0 = (widx * NCH + gc) * (2 * _K) + _K
            b = lax.rem(g, 2)
            pltpu.async_copy(dst_hbm.at[pl.ds(e0, _K)], dstv.at[b],
                             isem.at[b])

        def wait_idx(g):
            b = lax.rem(g, 2)
            pltpu.make_async_copy(dst_hbm.at[pl.ds(0, _K)], dstv.at[b],
                                  isem.at[b]).wait()

        def issue_scatter(g, dscX):
            b = lax.rem(g, 2)
            for j in range(_K // 16):
                dscX[pl.ds(j * 16, 16)] = dstv[b, pl.ds(j * 16, 16)]
            pltpu.async_copy(onesv, dega.at[dscX], ssem.at[b], add=True)

        def wait_scatter(g):
            b = lax.rem(g, 2)
            pltpu.make_async_copy(onesv, dega.at[dsc0], ssem.at[b]).wait()

        pltpu.sync_copy(z_hbm.at[pl.ds(r0, RB), :], dega.at[pl.ds(r0, RB), :])
        pltpu.sync_copy(ones_hbm, onesv)
        plsc.subcore_barrier()

        issue_idx(0)

        def step(g, carry):
            b = lax.rem(g, 2)
            wait_idx(g)
            issue_idx(g + 1)

            @pl.when(g >= 2)
            def _():
                wait_scatter(g - 2)

            @pl.when(b == 0)
            def _():
                issue_scatter(g, dsc0)

            @pl.when(b == 1)
            def _():
                issue_scatter(g, dsc1)
            return carry
        lax.fori_loop(0, NCH, step, 0)

        wait_idx(NCH)
        wait_scatter(NCH - 2)
        wait_scatter(NCH - 1)

        plsc.subcore_barrier()
        pltpu.sync_copy(dega.at[pl.ds(r0, RB), :],
                        dout.at[cid, pl.ds(r0, RB), :])

    k = pl.kernel(body, out_type=out_type, mesh=mesh, scratch_types=scratch)
    return k(ei, zeros, ones)


def _dotT(a, w):
    return lax.dot_general(a, w, (((1,), (1,)), ((), ())),
                           preferred_element_type=jnp.float32)


def _pre_body(x_ref, wl_ref, wr_ref, b_ref, y_ref, z_ref):
    x = x_ref[...]
    y_ref[...] = _dotT(x, wl_ref[...])
    z_ref[...] = _dotT(x, wr_ref[...]) + b_ref[...]


def _bn_relu(s_ref, degp_ref, z_ref, g_ref, be_ref):
    n = z_ref.shape[0]
    s = (s_ref[0] + s_ref[1])[:n]
    deg = (degp_ref[0] + degp_ref[1])[:n]
    h = s / jnp.maximum(deg, 1.0) + z_ref[...]
    mu = jnp.mean(h, axis=0, keepdims=True)
    ctr = h - mu
    var = jnp.mean(ctr * ctr, axis=0, keepdims=True)
    hn = g_ref[...] * ctr * lax.rsqrt(var + _EPS) + be_ref[...]
    return jnp.maximum(hn, 0.0)


def _mid_body(s_ref, degp_ref, z_ref, g_ref, be_ref, wl_ref, wr_ref,
              b_ref, y2_ref, z2_ref):
    h1 = _bn_relu(s_ref, degp_ref, z_ref, g_ref, be_ref)
    y2_ref[...] = _dotT(h1, wl_ref[...])
    z2_ref[...] = _dotT(h1, wr_ref[...]) + b_ref[...]


def _post_body(s_ref, degp_ref, z_ref, g_ref, be_ref, out_ref):
    out_ref[...] = _bn_relu(s_ref, degp_ref, z_ref, g_ref, be_ref)


def kernel(x, edge_index, Wl1, Wr1, b1, g1, be1, Wl2, Wr2, b2, g2, be2):
    N, D = x.shape
    E = edge_index.shape[1]
    Np = (N + 16 * 8 - 1) // (16 * 8) * (16 * 8)
    NW = _NC * _NS
    ept = (E // NW + _K - 1) // _K * _K
    pad = NW * ept - E
    pidx = jnp.arange(pad, dtype=jnp.int32)
    src1 = jnp.concatenate([edge_index[0], pidx % N])
    dst1 = jnp.concatenate([edge_index[1], N + pidx % (Np - N)])
    ei = jnp.stack([src1.reshape(-1, _K), dst1.reshape(-1, _K)],
                   axis=1).reshape(-1)
    zeros = jnp.zeros((Np, D), jnp.float32)
    ones = jnp.ones((_K, D), jnp.float32)
    f32 = jnp.float32
    sd = jax.ShapeDtypeStruct

    degp = _sc_degree(ei, zeros, ones)

    y1, z1 = pl.pallas_call(
        _pre_body,
        out_shape=[sd((N, D), f32), sd((N, D), f32)],
    )(x, Wl1, Wr1, b1.reshape(1, D))

    s1 = _sc_scatter(y1, ei, zeros)

    y2, z2 = pl.pallas_call(
        _mid_body,
        out_shape=[sd((N, D), f32), sd((N, D), f32)],
    )(s1, degp, z1, g1.reshape(1, D), be1.reshape(1, D), Wl2, Wr2,
      b2.reshape(1, D))

    s2 = _sc_scatter(y2, ei, zeros)

    out = pl.pallas_call(
        _post_body,
        out_shape=sd((N, D), f32),
    )(s2, degp, z2, g2.reshape(1, D), be2.reshape(1, D))

    return out

# --- scband reference (transcript-rebuilt; emitter-appended) ---
"""Pipeline reference for scband-graph-sagelayer-49143015800982 (READ-ONLY COPY).

The authoritative reference and input builder live on the scoring server;
editing this copy changes nothing except your own understanding.
"""

import jax, jax.numpy as jnp
import numpy as np

N = 10000
E = 320000
D_IN = 128
D_H = 128
D_O = 128
EPS = 1e-5


def setup_inputs(seed: int = 0) -> dict:
    key = jax.random.key(seed)
    ks = jax.random.split(key, 12)
    x = jax.random.normal(ks[0], (N, D_IN), dtype=jnp.float32)
    edge_index = jax.random.randint(ks[1], (2, E), 0, N, dtype=jnp.int32)
    s1 = 1.0 / np.sqrt(D_IN)
    s2 = 1.0 / np.sqrt(D_H)
    Wl1 = jax.random.uniform(ks[2], (D_H, D_IN), jnp.float32, -s1, s1)
    Wr1 = jax.random.uniform(ks[3], (D_H, D_IN), jnp.float32, -s1, s1)
    b1 = jax.random.uniform(ks[4], (D_H,), jnp.float32, -s1, s1)
    g1 = jnp.ones((D_H,), jnp.float32)
    be1 = jnp.zeros((D_H,), jnp.float32)
    Wl2 = jax.random.uniform(ks[5], (D_O, D_H), jnp.float32, -s2, s2)
    Wr2 = jax.random.uniform(ks[6], (D_O, D_H), jnp.float32, -s2, s2)
    b2 = jax.random.uniform(ks[7], (D_O,), jnp.float32, -s2, s2)
    g2 = jnp.ones((D_O,), jnp.float32)
    be2 = jnp.zeros((D_O,), jnp.float32)
    return {"x": x, "edge_index": edge_index, "Wl1": Wl1, "Wr1": Wr1, "b1": b1,
            "g1": g1, "be1": be1, "Wl2": Wl2, "Wr2": Wr2, "b2": b2, "g2": g2, "be2": be2}


def _sage_conv(h, edge_index, Wl, Wr, b):
    # PyG SAGEConv (aggr='mean', root_weight=True):
    # out = lin_l(mean_{j in N(i)} x_j) + lin_r(x_i)
    src = edge_index[0]
    dst = edge_index[1]
    msgs = jnp.take(h, src, axis=0)
    agg = jax.ops.segment_sum(msgs, dst, num_segments=N)
    deg = jax.ops.segment_sum(jnp.ones((src.shape[0],), h.dtype), dst, num_segments=N)
    agg = agg / jnp.maximum(deg, 1.0)[:, None]
    return agg @ Wl.T + b + h @ Wr.T


def _batch_norm(h, gamma, beta):
    mu = jnp.mean(h, axis=0)
    var = jnp.var(h, axis=0)
    return gamma * (h - mu) / jnp.sqrt(var + EPS) + beta


def reference(x, edge_index, Wl1, Wr1, b1, g1, be1, Wl2, Wr2, b2, g2, be2):
    h = _sage_conv(x, edge_index, Wl1, Wr1, b1)
    h = _batch_norm(h, g1, be1)
    h = jax.nn.relu(h)
    h = _sage_conv(h, edge_index, Wl2, Wr2, b2)
    h = _batch_norm(h, g2, be2)
    h = jax.nn.relu(h)
    return h

if __name__ == "__main__":
    import jax
    _d = setup_inputs()
    print(jax.jit(kernel)(*tuple(_d.values())))

</pallas_src>

<mosaic_0001>
#map = affine_map<(d0, d1) -> (0, 0)>
#map1 = affine_map<(d0, d1) -> (0)>
#map2 = affine_map<(d0, d1) -> (0, 0, 0)>
module attributes {stable_mosaic.version = 14 : i64} {
  func.func @body(%arg0: i32, %arg1: i32, %arg2: memref<10000x128xf32, #tpu.memory_space<hbm>>, %arg3: memref<647168xi32, #tpu.memory_space<hbm>>, %arg4: memref<10112x128xf32, #tpu.memory_space<hbm>>, %arg5: memref<2x10112x128xf32, #tpu.memory_space<hbm>>, %arg6: memref<2x256xi32, #tpu.memory_space<vmem>>, %arg7: memref<128xi32, #tpu.memory_space<vmem>>, %arg8: memref<2x128x128xf32, #tpu.memory_space<vmem>>, %arg9: memref<10112x128xf32, #tpu.memory_space<vmem_shared>>, %arg10: memref<2x!tpu.dma_semaphore, #tpu.memory_space<semaphore_mem>>, %arg11: memref<2x!tpu.dma_semaphore, #tpu.memory_space<semaphore_mem>>) attributes {dimension_semantics = [#tpu.dimension_semantics<core_parallel>, #tpu.dimension_semantics<subcore_parallel>], iteration_bounds = array<i64: 2, 16>, scalar_prefetch = 0 : i64, scratch_operands = 6 : i64, tpu.core_type = #tpu.core_type<sc_vector_subcore>, window_params = [{transform_indices = #map}, {transform_indices = #map1}, {transform_indices = #map}, {transform_indices = #map2}]} {
    %mul3A = arith.constant 16 : i32
    %mul3A_0 = arith.muli %arg0, %mul3A : i32
    %add3A = arith.addi %mul3A_0, %arg1 : i32
    %mul3A_1 = arith.constant 632 : i32
    %mul3A_2 = arith.muli %arg1, %mul3A_1 : i32
    "tpu.region"() ({
      %run_scoped3A = tpu.sem_alloc : memref<!tpu.dma_semaphore, #tpu.memory_space<semaphore_mem>>
      %dma_start3A_107 = arith.constant 0 : i32
      %dma_start3A_108 = tpu.memref_slice %arg9[%mul3A_2, %dma_start3A_107] : memref<10112x128xf32, #tpu.memory_space<vmem_shared>> -> memref<632x128xf32, #tpu.memory_space<vmem_shared>>
      %dma_start3A_109 = arith.constant 0 : i32
      %dma_start3A_110 = tpu.memref_slice %arg4[%mul3A_2, %dma_start3A_109] : memref<10112x128xf32, #tpu.memory_space<hbm>> -> memref<632x128xf32, #tpu.memory_space<hbm>>
      tpu.enqueue_dma source(%dma_start3A_110 : memref<632x128xf32, #tpu.memory_space<hbm>>) target(%dma_start3A_108 : memref<632x128xf32, #tpu.memory_space<vmem_shared>>) target_semaphore(%run_scoped3A : memref<!tpu.dma_semaphore, #tpu.memory_space<semaphore_mem>>)
      %dma_wait3A_111 = arith.constant 0 : i32
      %dma_wait3A_112 = tpu.memref_slice %arg9[%mul3A_2, %dma_wait3A_111] : memref<10112x128xf32, #tpu.memory_space<vmem_shared>> -> memref<632x128xf32, #tpu.memory_space<vmem_shared>>
      %dma_wait3A_113 = arith.constant 0 : i32
      %dma_wait3A_114 = tpu.memref_slice %arg4[%mul3A_2, %dma_wait3A_113] : memref<10112x128xf32, #tpu.memory_space<hbm>> -> memref<632x128xf32, #tpu.memory_space<hbm>>
      tpu.wait_dma2 semaphore(%run_scoped3A : memref<!tpu.dma_semaphore, #tpu.memory_space<semaphore_mem>>) src(%dma_wait3A_114 : memref<632x128xf32, #tpu.memory_space<hbm>>) dst(%dma_wait3A_112 : memref<632x128xf32, #tpu.memory_space<vmem_shared>>)
      tpu.yield
    }) : () -> ()
    %barrier3A = arith.constant 0 : index
    tpu.barrier barrier_id(%barrier3A)
    %min3A = arith.constant 0 : i32
    %min3A_3 = arith.constant 78 : i32
    %min3A_4 = arith.minsi %min3A, %min3A_3 : i32
    %mul3A_5 = arith.constant 79 : i32
    %mul3A_6 = arith.muli %add3A, %mul3A_5 : i32
    %add3A_7 = arith.addi %mul3A_6, %min3A_4 : i32
    %mul3A_8 = arith.constant 256 : i32
    %mul3A_9 = arith.muli %add3A_7, %mul3A_8 : i32
    %rem3A = arith.constant 0 : i32
    %rem3A_10 = arith.constant 2 : i32
    %rem3A_11 = arith.remsi %rem3A, %rem3A_10 : i32
    %dma_start3A = arith.constant 0 : i32
    %dma_start3A_12 = tpu.memref_slice %arg6[%rem3A_11, %dma_start3A] : memref<2x256xi32, #tpu.memory_space<vmem>> -> memref<1x256xi32, #tpu.memory_space<vmem>>
    %dma_start3A_13 = tpu.memref_squeeze %dma_start3A_12 : memref<1x256xi32, #tpu.memory_space<vmem>> -> memref<256xi32, #tpu.memory_space<vmem>>
    %dma_start3A_14 = tpu.memref_slice %arg3[%mul3A_9] : memref<647168xi32, #tpu.memory_space<hbm>> -> memref<256xi32, #tpu.memory_space<hbm>>
    %dma_start3A_15 = tpu.memref_slice %arg10[%rem3A_11] : memref<2x!tpu.dma_semaphore, #tpu.memory_space<semaphore_mem>> -> memref<1x!tpu.dma_semaphore, #tpu.memory_space<semaphore_mem>>
    %dma_start3A_16 = tpu.memref_squeeze %dma_start3A_15 : memref<1x!tpu.dma_semaphore, #tpu.memory_space<semaphore_mem>> -> memref<!tpu.dma_semaphore, #tpu.memory_space<semaphore_mem>>
    %dma_start3A_17 = arith.constant 0 : i32
    %dma_start3A_18 = tpu.memref_slice %arg6[%rem3A_11, %dma_start3A_17] : memref<2x256xi32, #tpu.memory_space<vmem>> -> memref<1x256xi32, #tpu.memory_space<vmem>>
    %dma_start3A_19 = tpu.memref_squeeze %dma_start3A_18 : memref<1x256xi32, #tpu.memory_space<vmem>> -> memref<256xi32, #tpu.memory_space<vmem>>
    %dma_start3A_20 = tpu.memref_slice %arg3[%mul3A_9] : memref<647168xi32, #tpu.memory_space<hbm>> -> memref<256xi32, #tpu.memory_space<hbm>>
    tpu.enqueue_dma source(%dma_start3A_20 : memref<256xi32, #tpu.memory_space<hbm>>) target(%dma_start3A_19 : memref<256xi32, #tpu.memory_space<vmem>>) target_semaphore(%dma_start3A_16 : memref<!tpu.dma_semaphore, #tpu.memory_space<semaphore_mem>>)
    %rem3A_21 = arith.constant 0 : i32
    %rem3A_22 = arith.constant 2 : i32
    %rem3A_23 = arith.remsi %rem3A_21, %rem3A_22 : i32
    %dma_wait3A = arith.constant 0 : i32
    %dma_wait3A_24 = tpu.memref_slice %arg6[%rem3A_23, %dma_wait3A] : memref<2x256xi32, #tpu.memory_space<vmem>> -> memref<1x256xi32, #tpu.memory_space<vmem>>
    %dma_wait3A_25 = tpu.memref_squeeze %dma_wait3A_24 : memref<1x256xi32, #tpu.memory_space<vmem>> -> memref<256xi32, #tpu.memory_space<vmem>>
    %dma_wait3A_26 = arith.constant 0 : i32
    %dma_wait3A_27 = tpu.memref_slice %arg3[%dma_wait3A_26] : memref<647168xi32, #tpu.memory_space<hbm>> -> memref<256xi32, #tpu.memory_space<hbm>>
    %dma_wait3A_28 = tpu.memref_slice %arg10[%rem3A_23] : memref<2x!tpu.dma_semaphore, #tpu.memory_space<semaphore_mem>> -> memref<1x!tpu.dma_semaphore, #tpu.memory_space<semaphore_mem>>
    %dma_wait3A_29 = tpu.memref_squeeze %dma_wait3A_28 : memref<1x!tpu.dma_semaphore, #tpu.memory_space<semaphore_mem>> -> memref<!tpu.dma_semaphore, #tpu.memory_space<semaphore_mem>>
    %dma_wait3A_30 = arith.constant 0 : i32
    %dma_wait3A_31 = tpu.memref_slice %arg6[%rem3A_23, %dma_wait3A_30] : memref<2x256xi32, #tpu.memory_space<vmem>> -> memref<1x256xi32, #tpu.memory_space<vmem>>
    %dma_wait3A_32 = tpu.memref_squeeze %dma_wait3A_31 : memref<1x256xi32, #tpu.memory_space<vmem>> -> memref<256xi32, #tpu.memory_space<vmem>>
    %dma_wait3A_33 = arith.constant 0 : i32
    %dma_wait3A_34 = tpu.memref_slice %arg3[%dma_wait3A_33] : memref<647168xi32, #tpu.memory_space<hbm>> -> memref<256xi32, #tpu.memory_space<hbm>>
    tpu.wait_dma2 semaphore(%dma_wait3A_29 : memref<!tpu.dma_semaphore, #tpu.memory_space<semaphore_mem>>) src(%dma_wait3A_34 : memref<256xi32, #tpu.memory_space<hbm>>) dst(%dma_wait3A_32 : memref<256xi32, #tpu.memory_space<vmem>>)
    %rem3A_35 = arith.constant 0 : i32
    %rem3A_36 = arith.constant 2 : i32
    %rem3A_37 = arith.remsi %rem3A_35, %rem3A_36 : i32
    %dma_start3A_38 = arith.constant 0 : i32
    %dma_start3A_39 = arith.constant 0 : i32
    %dma_start3A_40 = tpu.memref_slice %arg8[%rem3A_37, %dma_start3A_38, %dma_start3A_39] : memref<2x128x128xf32, #tpu.memory_space<vmem>> -> memref<1x128x128xf32, #tpu.memory_space<vmem>>
    %dma_start3A_41 = tpu.memref_squeeze %dma_start3A_40 : memref<1x128x128xf32, #tpu.memory_space<vmem>> -> memref<128x128xf32, #tpu.memory_space<vmem>>
    %dma_start3A_42 = arith.constant 0 : i32
    %dma_start3A_43 = tpu.memref_slice %arg6[%rem3A_37, %dma_start3A_42] : memref<2x256xi32, #tpu.memory_space<vmem>> -> memref<1x128xi32, #tpu.memory_space<vmem>>
    %dma_start3A_44 = tpu.memref_squeeze %dma_start3A_43 : memref<1x128xi32, #tpu.memory_space<vmem>> -> memref<128xi32, #tpu.memory_space<vmem>>
    %dma_start3A_45 = arith.constant 0 : i32
    %dma_start3A_46 = arith.constant 0 : i32
    %dma_start3A_47 = tpu.memref_slice %arg2[%dma_start3A_45, %dma_start3A_46] : memref<10000x128xf32, #tpu.memory_space<hbm>> -> memref<10000x128xf32, #tpu.memory_space<hbm>>
    %dma_start3A_48 = tpu.memref_slice %arg11[%rem3A_37] : memref<2x!tpu.dma_semaphore, #tpu.memory_space<semaphore_mem>> -> memref<1x!tpu.dma_semaphore, #tpu.memory_space<semaphore_mem>>
    %dma_start3A_49 = tpu.memref_squeeze %dma_start3A_48 : memref<1x!tpu.dma_semaphore, #tpu.memory_space<semaphore_mem>> -> memref<!tpu.dma_semaphore, #tpu.memory_space<semaphore_mem>>
    tpu.enqueue_indirect_dma source(%dma_start3A_47 : memref<10000x128xf32, #tpu.memory_space<hbm>>) target(%dma_start3A_41 : memref<128x128xf32, #tpu.memory_space<vmem>>) offsets(%dma_start3A_44 : memref<128xi32, #tpu.memory_space<vmem>>) semaphore(%dma_start3A_49 : memref<!tpu.dma_semaphore, #tpu.memory_space<semaphore_mem>>)
    %min3A_50 = arith.constant 1 : i32
    %min3A_51 = arith.constant 78 : i32
    %min3A_52 = arith.minsi %min3A_50, %min3A_51 : i32
    %mul3A_53 = arith.constant 79 : i32
    %mul3A_54 = arith.muli %add3A, %mul3A_53 : i32
    %add3A_55 = arith.addi %mul3A_54, %min3A_52 : i32
    %mul3A_56 = arith.constant 256 : i32
    %mul3A_57 = arith.muli %add3A_55, %mul3A_56 : i32
    %rem3A_58 = arith.constant 1 : i32
    %rem3A_59 = arith.constant 2 : i32
    %rem3A_60 = arith.remsi %rem3A_58, %rem3A_59 : i32
    %dma_start3A_61 = arith.constant 0 : i32
    %dma_start3A_62 = tpu.memref_slice %arg6[%rem3A_60, %dma_start3A_61] : memref<2x256xi32, #tpu.memory_space<vmem>> -> memref<1x256xi32, #tpu.memory_space<vmem>>
    %dma_start3A_63 = tpu.memref_squeeze %dma_start3A_62 : memref<1x256xi32, #tpu.memory_space<vmem>> -> memref<256xi32, #tpu.memory_space<vmem>>
    %dma_start3A_64 = tpu.memref_slice %arg3[%mul3A_57] : memref<647168xi32, #tpu.memory_space<hbm>> -> memref<256xi32, #tpu.memory_space<hbm>>
    %dma_start3A_65 = tpu.memref_slice %arg10[%rem3A_60] : memref<2x!tpu.dma_semaphore, #tpu.memory_space<semaphore_mem>> -> memref<1x!tpu.dma_semaphore, #tpu.memory_space<semaphore_mem>>
    %dma_start3A_66 = tpu.memref_squeeze %dma_start3A_65 : memref<1x!tpu.dma_semaphore, #tpu.memory_space<semaphore_mem>> -> memref<!tpu.dma_semaphore, #tpu.memory_space<semaphore_mem>>
    %dma_start3A_67 = arith.constant 0 : i32
    %dma_start3A_68 = tpu.memref_slice %arg6[%rem3A_60, %dma_start3A_67] : memref<2x256xi32, #tpu.memory_space<vmem>> -> memref<1x256xi32, #tpu.memory_space<vmem>>
    %dma_start3A_69 = tpu.memref_squeeze %dma_start3A_68 : memref<1x256xi32, #tpu.memory_space<vmem>> -> memref<256xi32, #tpu.memory_space<vmem>>
    %dma_start3A_70 = tpu.memref_slice %arg3[%mul3A_57] : memref<647168xi32, #tpu.memory_space<hbm>> -> memref<256xi32, #tpu.memory_space<hbm>>
    tpu.enqueue_dma source(%dma_start3A_70 : memref<256xi32, #tpu.memory_space<hbm>>) target(%dma_start3A_69 : memref<256xi32, #tpu.memory_space<vmem>>) target_semaphore(%dma_start3A_66 : memref<!tpu.dma_semaphore, #tpu.memory_space<semaphore_mem>>)
    %scan3A = arith.constant 0 : i32
    %scan3A_71 = arith.constant 0 : i32
    %scan3A_72 = arith.constant 79 : i32
    %scan3A_73 = arith.addi %scan3A_71, %scan3A_72 : i32
    %scan3A_74 = arith.constant 1 : i32
    scf.for %scan3A_107 = %scan3A_71 to %scan3A_73 step %scan3A_74  : i32 {
      %rem3A_108 = arith.constant 2 : i32
      %rem3A_109 = arith.remsi %scan3A_107, %rem3A_108 : i32
      %add3A_110 = arith.constant 1 : i32
      %add3A_111 = arith.addi %scan3A_107, %add3A_110 : i32
      %rem3A_112 = arith.constant 2 : i32
      %rem3A_113 = arith.remsi %add3A_111, %rem3A_112 : i32
      %dma_wait3A_114 = arith.constant 0 : i32
      %dma_wait3A_115 = tpu.memref_slice %arg6[%rem3A_113, %dma_wait3A_114] : memref<2x256xi32, #tpu.memory_space<vmem>> -> memref<1x256xi32, #tpu.memory_space<vmem>>
      %dma_wait3A_116 = tpu.memref_squeeze %dma_wait3A_115 : memref<1x256xi32, #tpu.memory_space<vmem>> -> memref<256xi32, #tpu.memory_space<vmem>>
      %dma_wait3A_117 = arith.constant 0 : i32
      %dma_wait3A_118 = tpu.memref_slice %arg3[%dma_wait3A_117] : memref<647168xi32, #tpu.memory_space<hbm>> -> memref<256xi32, #tpu.memory_space<hbm>>
      %dma_wait3A_119 = tpu.memref_slice %arg10[%rem3A_113] : memref<2x!tpu.dma_semaphore, #tpu.memory_space<semaphore_mem>> -> memref<1x!tpu.dma_semaphore, #tpu.memory_space<semaphore_mem>>
      %dma_wait3A_120 = tpu.memref_squeeze %dma_wait3A_119 : memref<1x!tpu.dma_semaphore, #tpu.memory_space<semaphore_mem>> -> memref<!tpu.dma_semaphore, #tpu.memory_space<semaphore_mem>>
      %dma_wait3A_121 = arith.constant 0 : i32
      %dma_wait3A_122 = tpu.memref_slice %arg6[%rem3A_113, %dma_wait3A_121] : memref<2x256xi32, #tpu.memory_space<vmem>> -> memref<1x256xi32, #tpu.memory_space<vmem>>
      %dma_wait3A_123 = tpu.memref_squeeze %dma_wait3A_122 : memref<1x256xi32, #tpu.memory_space<vmem>> -> memref<256xi32, #tpu.memory_space<vmem>>
      %dma_wait3A_124 = arith.constant 0 : i32
      %dma_wait3A_125 = tpu.memref_slice %arg3[%dma_wait3A_124] : memref<647168xi32, #tpu.memory_space<hbm>> -> memref<256xi32, #tpu.memory_space<hbm>>
      tpu.wait_dma2 semaphore(%dma_wait3A_120 : memref<!tpu.dma_semaphore, #tpu.memory_space<semaphore_mem>>) src(%dma_wait3A_125 : memref<256xi32, #tpu.memory_space<hbm>>) dst(%dma_wait3A_123 : memref<256xi32, #tpu.memory_space<vmem>>)
      %add3A_126 = arith.constant 1 : i32
      %add3A_127 = arith.addi %scan3A_107, %add3A_126 : i32
      %rem3A_128 = arith.constant 2 : i32
      %rem3A_129 = arith.remsi %add3A_127, %rem3A_128 : i32
      %dma_start3A_130 = arith.constant 0 : i32
      %dma_start3A_131 = arith.constant 0 : i32
      %dma_start3A_132 = tpu.memref_slice %arg8[%rem3A_129, %dma_start3A_130, %dma_start3A_131] : memref<2x128x128xf32, #tpu.memory_space<vmem>> -> memref<1x128x128xf32, #tpu.memory_space<vmem>>
      %dma_start3A_133 = tpu.memref_squeeze %dma_start3A_132 : memref<1x128x128xf32, #tpu.memory_space<vmem>> -> memref<128x128xf32, #tpu.memory_space<vmem>>
      %dma_start3A_134 = arith.constant 0 : i32
      %dma_start3A_135 = tpu.memref_slice %arg6[%rem3A_129, %dma_start3A_134] : memref<2x256xi32, #tpu.memory_space<vmem>> -> memref<1x128xi32, #tpu.memory_space<vmem>>
      %dma_start3A_136 = tpu.memref_squeeze %dma_start3A_135 : memref<1x128xi32, #tpu.memory_space<vmem>> -> memref<128xi32, #tpu.memory_space<vmem>>
      %dma_start3A_137 = arith.constant 0 : i32
      %dma_start3A_138 = arith.constant 0 : i32
      %dma_start3A_139 = tpu.memref_slice %arg2[%dma_start3A_137, %dma_start3A_138] : memref<10000x128xf32, #tpu.memory_space<hbm>> -> memref<10000x128xf32, #tpu.memory_space<hbm>>
      %dma_start3A_140 = tpu.memref_slice %arg11[%rem3A_129] : memref<2x!tpu.dma_semaphore, #tpu.memory_space<semaphore_mem>> -> memref<1x!tpu.dma_semaphore, #tpu.memory_space<semaphore_mem>>
      %dma_start3A_141 = tpu.memref_squeeze %dma_start3A_140 : memref<1x!tpu.dma_semaphore, #tpu.memory_space<semaphore_mem>> -> memref<!tpu.dma_semaphore, #tpu.memory_space<semaphore_mem>>
      tpu.enqueue_indirect_dma source(%dma_start3A_139 : memref<10000x128xf32, #tpu.memory_space<hbm>>) target(%dma_start3A_133 : memref<128x128xf32, #tpu.memory_space<vmem>>) offsets(%dma_start3A_136 : memref<128xi32, #tpu.memory_space<vmem>>) semaphore(%dma_start3A_141 : memref<!tpu.dma_semaphore, #tpu.memory_space<semaphore_mem>>)
      %get3A = arith.index_cast %rem3A_109 : i32 to index
      %get3A_142 = arith.constant 128 : index
      %get3A_143 = tpu.vector_load %arg6[%get3A, %get3A_142] {strides = array<i32>} : memref<2x256xi32, #tpu.memory_space<vmem>>, vector<1x16xi32>,
      %get3A_144 = vector.shape_cast %get3A_143 : vector<1x16xi32> to vector<16xi32>
      %swap3A = arith.constant 0 : index
      %swap3A_145 = tpu.vector_load %arg7[%swap3A] {strides = array<i32>} : memref<128xi32, #tpu.memory_space<vmem>>, vector<16xi32>,
      %swap3A_146 = vector.shape_cast %swap3A_145 : vector<16xi32> to vector<16xi32>
      %swap3A_147 = vector.shape_cast %get3A_144 : vector<16xi32> to vector<16xi32>
      tpu.vector_store %arg7[%swap3A], %swap3A_147 {strides = array<i32>} : memref<128xi32, #tpu.memory_space<vmem>>, vector<16xi32>,
      %get3A_148 = arith.index_cast %rem3A_109 : i32 to index
      %get3A_149 = arith.constant 144 : index
      %get3A_150 = tpu.vector_load %arg6[%get3A_148, %get3A_149] {strides = array<i32>} : memref<2x256xi32, #tpu.memory_space<vmem>>, vector<1x16xi32>,
      %get3A_151 = vector.shape_cast %get3A_150 : vector<1x16xi32> to vector<16xi32>
      %swap3A_152 = arith.constant 16 : index
      %swap3A_153 = tpu.vector_load %arg7[%swap3A_152] {strides = array<i32>} : memref<128xi32, #tpu.memory_space<vmem>>, vector<16xi32>,
      %swap3A_154 = vector.shape_cast %swap3A_153 : vector<16xi32> to vector<16xi32>
      %swap3A_155 = vector.shape_cast %get3A_151 : vector<16xi32> to vector<16xi32>
      tpu.vector_store %arg7[%swap3A_152], %swap3A_155 {strides = array<i32>} : memref<128xi32, #tpu.memory_space<vmem>>, vector<16xi32>,
      %get3A_156 = arith.index_cast %rem3A_109 : i32 to index
      %get3A_157 = arith.constant 160 : index
      %get3A_158 = tpu.vector_load %arg6[%get3A_156, %get3A_157] {strides = array<i32>} : memref<2x256xi32, #tpu.memory_space<vmem>>, vector<1x16xi32>,
      %get3A_159 = vector.shape_cast %get3A_158 : vector<1x16xi32> to vector<16xi32>
      %swap3A_160 = arith.constant 32 : index
      %swap3A_161 = tpu.vector_load %arg7[%swap3A_160] {strides = array<i32>} : memref<128xi32, #tpu.memory_space<vmem>>, vector<16xi32>,
      %swap3A_162 = vector.shape_cast %swap3A_161 : vector<16xi32> to vector<16xi32>
      %swap3A_163 = vector.shape_cast %get3A_159 : vector<16xi32> to vector<16xi32>
      tpu.vector_store %arg7[%swap3A_160], %swap3A_163 {strides = array<i32>} : memref<128xi32, #tpu.memory_space<vmem>>, vector<16xi32>,
      %get3A_164 = arith.index_cast %rem3A_109 : i32 to index
      %get3A_165 = arith.constant 176 : index
      %get3A_166 = tpu.vector_load %arg6[%get3A_164, %get3A_165] {strides = array<i32>} : memref<2x256xi32, #tpu.memory_space<vmem>>, vector<1x16xi32>,
      %get3A_167 = vector.shape_cast %get3A_166 : vector<1x16xi32> to vector<16xi32>
      %swap3A_168 = arith.constant 48 : index
      %swap3A_169 = tpu.vector_load %arg7[%swap3A_168] {strides = array<i32>} : memref<128xi32, #tpu.memory_space<vmem>>, vector<16xi32>,
      %swap3A_170 = vector.shape_cast %swap3A_169 : vector<16xi32> to vector<16xi32>
      %swap3A_171 = vector.shape_cast %get3A_167 : vector<16xi32> to vector<16xi32>
      tpu.vector_store %arg7[%swap3A_168], %swap3A_171 {strides = array<i32>} : memref<128xi32, #tpu.memory_space<vmem>>, vector<16xi32>,
      %get3A_172 = arith.index_cast %rem3A_109 : i32 to index
      %get3A_173 = arith.constant 192 : index
      %get3A_174 = tpu.vector_load %arg6[%get3A_172, %get3A_173] {strides = array<i32>} : memref<2x256xi32, #tpu.memory_space<vmem>>, vector<1x16xi32>,
      %get3A_175 = vector.shape_cast %get3A_174 : vector<1x16xi32> to vector<16xi32>
      %swap3A_176 = arith.constant 64 : index
      %swap3A_177 = tpu.vector_load %arg7[%swap3A_176] {strides = array<i32>} : memref<128xi32, #tpu.memory_space<vmem>>, vector<16xi32>,
      %swap3A_178 = vector.shape_cast %swap3A_177 : vector<16xi32> to vector<16xi32>
      %swap3A_179 = vector.shape_cast %get3A_175 : vector<16xi32> to vector<16xi32>
      tpu.vector_store %arg7[%swap3A_176], %swap3A_179 {strides = array<i32>} : memref<128xi32, #tpu.memory_space<vmem>>, vector<16xi32>,
      %get3A_180 = arith.index_cast %rem3A_109 : i32 to index
      %get3A_181 = arith.constant 208 : index
      %get3A_182 = tpu.vector_load %arg6[%get3A_180, %get3A_181] {strides = array<i32>} : memref<2x256xi32, #tpu.memory_space<vmem>>, vector<1x16xi32>,
      %get3A_183 = vector.shape_cast %get3A_182 : vector<1x16xi32> to vector<16xi32>
      %swap3A_184 = arith.constant 80 : index
      %swap3A_185 = tpu.vector_load %arg7[%swap3A_184] {strides = array<i32>} : memref<128xi32, #tpu.memory_space<vmem>>, vector<16xi32>,
      %swap3A_186 = vector.shape_cast %swap3A_185 : vector<16xi32> to vector<16xi32>
      %swap3A_187 = vector.shape_cast %get3A_183 : vector<16xi32> to vector<16xi32>
      tpu.vector_store %arg7[%swap3A_184], %swap3A_187 {strides = array<i32>} : memref<128xi32, #tpu.memory_space<vmem>>, vector<16xi32>,
      %get3A_188 = arith.index_cast %rem3A_109 : i32 to index
      %get3A_189 = arith.constant 224 : index
      %get3A_190 = tpu.vector_load %arg6[%get3A_188, %get3A_189] {strides = array<i32>} : memref<2x256xi32, #tpu.memory_space<vmem>>, vector<1x16xi32>,
      %get3A_191 = vector.shape_cast %get3A_190 : vector<1x16xi32> to vector<16xi32>
      %swap3A_192 = arith.constant 96 : index
      %swap3A_193 = tpu.vector_load %arg7[%swap3A_192] {strides = array<i32>} : memref<128xi32, #tpu.memory_space<vmem>>, vector<16xi32>,
      %swap3A_194 = vector.shape_cast %swap3A_193 : vector<16xi32> to vector<16xi32>
      %swap3A_195 = vector.shape_cast %get3A_191 : vector<16xi32> to vector<16xi32>
      tpu.vector_store %arg7[%swap3A_192], %swap3A_195 {strides = array<i32>} : memref<128xi32, #tpu.memory_space<vmem>>, vector<16xi32>,
      %get3A_196 = arith.index_cast %rem3A_109 : i32 to index
      %get3A_197 = arith.constant 240 : index
      %get3A_198 = tpu.vector_load %arg6[%get3A_196, %get3A_197] {strides = array<i32>} : memref<2x256xi32, #tpu.memory_space<vmem>>, vector<1x16xi32>,
      %get3A_199 = vector.shape_cast %get3A_198 : vector<1x16xi32> to vector<16xi32>
      %swap3A_200 = arith.constant 112 : index
      %swap3A_201 = tpu.vector_load %arg7[%swap3A_200] {strides = array<i32>} : memref<128xi32, #tpu.memory_space<vmem>>, vector<16xi32>,
      %swap3A_202 = vector.shape_cast %swap3A_201 : vector<16xi32> to vector<16xi32>
      %swap3A_203 = vector.shape_cast %get3A_199 : vector<16xi32> to vector<16xi32>
      tpu.vector_store %arg7[%swap3A_200], %swap3A_203 {strides = array<i32>} : memref<128xi32, #tpu.memory_space<vmem>>, vector<16xi32>,
      %rem3A_204 = arith.constant 2 : i32
      %rem3A_205 = arith.remsi %scan3A_107, %rem3A_204 : i32
      %dma_wait3A_206 = arith.constant 0 : i32
      %dma_wait3A_207 = arith.constant 0 : i32
      %dma_wait3A_208 = tpu.memref_slice %arg8[%rem3A_205, %dma_wait3A_206, %dma_wait3A_207] : memref<2x128x128xf32, #tpu.memory_space<vmem>> -> memref<1x128x128xf32, #tpu.memory_space<vmem>>
      %dma_wait3A_209 = tpu.memref_squeeze %dma_wait3A_208 : memref<1x128x128xf32, #tpu.memory_space<vmem>> -> memref<128x128xf32, #tpu.memory_space<vmem>>
      %dma_wait3A_210 = arith.constant 0 : i32
      %dma_wait3A_211 = tpu.memref_slice %arg6[%rem3A_205, %dma_wait3A_210] : memref<2x256xi32, #tpu.memory_space<vmem>> -> memref<1x128xi32, #tpu.memory_space<vmem>>
      %dma_wait3A_212 = tpu.memref_squeeze %dma_wait3A_211 : memref<1x128xi32, #tpu.memory_space<vmem>> -> memref<128xi32, #tpu.memory_space<vmem>>
      %dma_wait3A_213 = arith.constant 0 : i32
      %dma_wait3A_214 = arith.constant 0 : i32
      %dma_wait3A_215 = tpu.memref_slice %arg2[%dma_wait3A_213, %dma_wait3A_214] : memref<10000x128xf32, #tpu.memory_space<hbm>> -> memref<10000x128xf32, #tpu.memory_space<hbm>>
      %dma_wait3A_216 = tpu.memref_slice %arg11[%rem3A_205] : memref<2x!tpu.dma_semaphore, #tpu.memory_space<semaphore_mem>> -> memref<1x!tpu.dma_semaphore, #tpu.memory_space<semaphore_mem>>
      %dma_wait3A_217 = tpu.memref_squeeze %dma_wait3A_216 : memref<1x!tpu.dma_semaphore, #tpu.memory_space<semaphore_mem>> -> memref<!tpu.dma_semaphore, #tpu.memory_space<semaphore_mem>>
      tpu.wait_indirect_dma semaphore(%dma_wait3A_217 : memref<!tpu.dma_semaphore, #tpu.memory_space<semaphore_mem>>) src(%dma_wait3A_215 : memref<10000x128xf32, #tpu.memory_space<hbm>>) dst(%dma_wait3A_209 : memref<128x128xf32, #tpu.memory_space<vmem>>)
      "tpu.region"() ({
        %run_scoped3A = tpu.sem_alloc : memref<!tpu.dma_semaphore, #tpu.memory_space<semaphore_mem>>
        %dma_start3A_239 = arith.constant 0 : i32
        %dma_start3A_240 = arith.constant 0 : i32
        %dma_start3A_241 = tpu.memref_slice %arg8[%rem3A_109, %dma_start3A_239, %dma_start3A_240] : memref<2x128x128xf32, #tpu.memory_space<vmem>> -> memref<1x128x128xf32, #tpu.memory_space<vmem>>
        %dma_start3A_242 = tpu.memref_squeeze %dma_start3A_241 : memref<1x128x128xf32, #tpu.memory_space<vmem>> -> memref<128x128xf32, #tpu.memory_space<vmem>>
        %dma_start3A_243 = arith.constant 0 : i32
        %dma_start3A_244 = arith.constant 0 : i32
        %dma_start3A_245 = tpu.memref_slice %arg9[%dma_start3A_243, %dma_start3A_244] : memref<10112x128xf32, #tpu.memory_space<vmem_shared>> -> memref<10112x128xf32, #tpu.memory_space<vmem_shared>>
        tpu.enqueue_indirect_dma source(%dma_start3A_242 : memref<128x128xf32, #tpu.memory_space<vmem>>) target(%dma_start3A_245 : memref<10112x128xf32, #tpu.memory_space<vmem_shared>>) offsets(%arg7 : memref<128xi32, #tpu.memory_space<vmem>>) semaphore(%run_scoped3A : memref<!tpu.dma_semaphore, #tpu.memory_space<semaphore_mem>>) {add = true}
        %dma_wait3A_246 = arith.constant 0 : i32
        %dma_wait3A_247 = arith.constant 0 : i32
        %dma_wait3A_248 = tpu.memref_slice %arg8[%rem3A_109, %dma_wait3A_246, %dma_wait3A_247] : memref<2x128x128xf32, #tpu.memory_space<vmem>> -> memref<1x128x128xf32, #tpu.memory_space<vmem>>
        %dma_wait3A_249 = tpu.memref_squeeze %dma_wait3A_248 : memref<1x128x128xf32, #tpu.memory_space<vmem>> -> memref<128x128xf32, #tpu.memory_space<vmem>>
        %dma_wait3A_250 = arith.constant 0 : i32
        %dma_wait3A_251 = arith.constant 0 : i32
        %dma_wait3A_252 = tpu.memref_slice %arg9[%dma_wait3A_250, %dma_wait3A_251] : memref<10112x128xf32, #tpu.memory_space<vmem_shared>> -> memref<10112x128xf32, #tpu.memory_space<vmem_shared>>
        tpu.wait_indirect_dma semaphore(%run_scoped3A : memref<!tpu.dma_semaphore, #tpu.memory_space<semaphore_mem>>) src(%dma_wait3A_249 : memref<128x128xf32, #tpu.memory_space<vmem>>) dst(%dma_wait3A_252 : memref<10112x128xf32, #tpu.memory_space<vmem_shared>>)
        tpu.yield
      }) : () -> ()
      %add3A_218 = arith.constant 2 : i32
      %add3A_219 = arith.addi %scan3A_107, %add3A_218 : i32
      %min3A_220 = arith.constant 78 : i32
      %min3A_221 = arith.minsi %add3A_219, %min3A_220 : i32
      %mul3A_222 = arith.constant 79 : i32
      %mul3A_223 = arith.muli %add3A, %mul3A_222 : i32
      %add3A_224 = arith.addi %mul3A_223, %min3A_221 : i32
      %mul3A_225 = arith.constant 256 : i32
      %mul3A_226 = arith.muli %add3A_224, %mul3A_225 : i32
      %rem3A_227 = arith.constant 2 : i32
      %rem3A_228 = arith.remsi %add3A_219, %rem3A_227 : i32
      %dma_start3A_229 = arith.constant 0 : i32
      %dma_start3A_230 = tpu.memref_slice %arg6[%rem3A_228, %dma_start3A_229] : memref<2x256xi32, #tpu.memory_space<vmem>> -> memref<1x256xi32, #tpu.memory_space<vmem>>
      %dma_start3A_231 = tpu.memref_squeeze %dma_start3A_230 : memref<1x256xi32, #tpu.memory_space<vmem>> -> memref<256xi32, #tpu.memory_space<vmem>>
      %dma_start3A_232 = tpu.memref_slice %arg3[%mul3A_226] : memref<647168xi32, #tpu.memory_space<hbm>> -> memref<256xi32, #tpu.memory_space<hbm>>
      %dma_start3A_233 = tpu.memref_slice %arg10[%rem3A_228] : memref<2x!tpu.dma_semaphore, #tpu.memory_space<semaphore_mem>> -> memref<1x!tpu.dma_semaphore, #tpu.memory_space<semaphore_mem>>
      %dma_start3A_234 = tpu.memref_squeeze %dma_start3A_233 : memref<1x!tpu.dma_semaphore, #tpu.memory_space<semaphore_mem>> -> memref<!tpu.dma_semaphore, #tpu.memory_space<semaphore_mem>>
      %dma_start3A_235 = arith.constant 0 : i32
      %dma_start3A_236 = tpu.memref_slice %arg6[%rem3A_228, %dma_start3A_235] : memref<2x256xi32, #tpu.memory_space<vmem>> -> memref<1x256xi32, #tpu.memory_space<vmem>>
      %dma_start3A_237 = tpu.memref_squeeze %dma_start3A_236 : memref<1x256xi32, #tpu.memory_space<vmem>> -> memref<256xi32, #tpu.memory_space<vmem>>
      %dma_start3A_238 = tpu.memref_slice %arg3[%mul3A_226] : memref<647168xi32, #tpu.memory_space<hbm>> -> memref<256xi32, #tpu.memory_space<hbm>>
      tpu.enqueue_dma source(%dma_start3A_238 : memref<256xi32, #tpu.memory_space<hbm>>) target(%dma_start3A_237 : memref<256xi32, #tpu.memory_space<vmem>>) target_semaphore(%dma_start3A_234 : memref<!tpu.dma_semaphore, #tpu.memory_space<semaphore_mem>>)
    }
    %scan3A_75 = arith.constant 79 : i32
    %rem3A_76 = arith.constant 80 : i32
    %rem3A_77 = arith.constant 2 : i32
    %rem3A_78 = arith.remsi %rem3A_76, %rem3A_77 : i32
    %dma_wait3A_79 = arith.constant 0 : i32
    %dma_wait3A_80 = tpu.memref_slice %arg6[%rem3A_78, %dma_wait3A_79] : memref<2x256xi32, #tpu.memory_space<vmem>> -> memref<1x256xi32, #tpu.memory_space<vmem>>
    %dma_wait3A_81 = tpu.memref_squeeze %dma_wait3A_80 : memref<1x256xi32, #tpu.memory_space<vmem>> -> memref<256xi32, #tpu.memory_space<vmem>>
    %dma_wait3A_82 = arith.constant 0 : i32
    %dma_wait3A_83 = tpu.memref_slice %arg3[%dma_wait3A_82] : memref<647168xi32, #tpu.memory_space<hbm>> -> memref<256xi32, #tpu.memory_space<hbm>>
    %dma_wait3A_84 = tpu.memref_slice %arg10[%rem3A_78] : memref<2x!tpu.dma_semaphore, #tpu.memory_space<semaphore_mem>> -> memref<1x!tpu.dma_semaphore, #tpu.memory_space<semaphore_mem>>
    %dma_wait3A_85 = tpu.memref_squeeze %dma_wait3A_84 : memref<1x!tpu.dma_semaphore, #tpu.memory_space<semaphore_mem>> -> memref<!tpu.dma_semaphore, #tpu.memory_space<semaphore_mem>>
    %dma_wait3A_86 = arith.constant 0 : i32
    %dma_wait3A_87 = tpu.memref_slice %arg6[%rem3A_78, %dma_wait3A_86] : memref<2x256xi32, #tpu.memory_space<vmem>> -> memref<1x256xi32, #tpu.memory_space<vmem>>
    %dma_wait3A_88 = tpu.memref_squeeze %dma_wait3A_87 : memref<1x256xi32, #tpu.memory_space<vmem>> -> memref<256xi32, #tpu.memory_space<vmem>>
    %dma_wait3A_89 = arith.constant 0 : i32
    %dma_wait3A_90 = tpu.memref_slice %arg3[%dma_wait3A_89] : memref<647168xi32, #tpu.memory_space<hbm>> -> memref<256xi32, #tpu.memory_space<hbm>>
    tpu.wait_dma2 semaphore(%dma_wait3A_85 : memref<!tpu.dma_semaphore, #tpu.memory_space<semaphore_mem>>) src(%dma_wait3A_90 : memref<256xi32, #tpu.memory_space<hbm>>) dst(%dma_wait3A_88 : memref<256xi32, #tpu.memory_space<vmem>>)
    %rem3A_91 = arith.constant 79 : i32
    %rem3A_92 = arith.constant 2 : i32
    %rem3A_93 = arith.remsi %rem3A_91, %rem3A_92 : i32
    %dma_wait3A_94 = arith.constant 0 : i32
    %dma_wait3A_95 = arith.constant 0 : i32
    %dma_wait3A_96 = tpu.memref_slice %arg8[%rem3A_93, %dma_wait3A_94, %dma_wait3A_95] : memref<2x128x128xf32, #tpu.memory_space<vmem>> -> memref<1x128x128xf32, #tpu.memory_space<vmem>>
    %dma_wait3A_97 = tpu.memref_squeeze %dma_wait3A_96 : memref<1x128x128xf32, #tpu.memory_space<vmem>> -> memref<128x128xf32, #tpu.memory_space<vmem>>
    %dma_wait3A_98 = arith.constant 0 : i32
    %dma_wait3A_99 = tpu.memref_slice %arg6[%rem3A_93, %dma_wait3A_98] : memref<2x256xi32, #tpu.memory_space<vmem>> -> memref<1x128xi32, #tpu.memory_space<vmem>>
    %dma_wait3A_100 = tpu.memref_squeeze %dma_wait3A_99 : memref<1x128xi32, #tpu.memory_space<vmem>> -> memref<128xi32, #tpu.memory_space<vmem>>
    %dma_wait3A_101 = arith.constant 0 : i32
    %dma_wait3A_102 = arith.constant 0 : i32
    %dma_wait3A_103 = tpu.memref_slice %arg2[%dma_wait3A_101, %dma_wait3A_102] : memref<10000x128xf32, #tpu.memory_space<hbm>> -> memref<10000x128xf32, #tpu.memory_space<hbm>>
    %dma_wait3A_104 = tpu.memref_slice %arg11[%rem3A_93] : memref<2x!tpu.dma_semaphore, #tpu.memory_space<semaphore_mem>> -> memref<1x!tpu.dma_semaphore, #tpu.memory_space<semaphore_mem>>
    %dma_wait3A_105 = tpu.memref_squeeze %dma_wait3A_104 : memref<1x!tpu.dma_semaphore, #tpu.memory_space<semaphore_mem>> -> memref<!tpu.dma_semaphore, #tpu.memory_space<semaphore_mem>>
    tpu.wait_indirect_dma semaphore(%dma_wait3A_105 : memref<!tpu.dma_semaphore, #tpu.memory_space<semaphore_mem>>) src(%dma_wait3A_103 : memref<10000x128xf32, #tpu.memory_space<hbm>>) dst(%dma_wait3A_97 : memref<128x128xf32, #tpu.memory_space<vmem>>)
    %barrier3A_106 = arith.constant 0 : index
    tpu.barrier barrier_id(%barrier3A_106)
    "tpu.region"() ({
      %run_scoped3A = tpu.sem_alloc : memref<!tpu.dma_semaphore, #tpu.memory_space<semaphore_mem>>
      %dma_start3A_107 = arith.constant 0 : i32
      %dma_start3A_108 = tpu.memref_slice %arg5[%arg0, %mul3A_2, %dma_start3A_107] : memref<2x10112x128xf32, #tpu.memory_space<hbm>> -> memref<1x632x128xf32, #tpu.memory_space<hbm>>
      %dma_start3A_109 = tpu.memref_squeeze %dma_start3A_108 : memref<1x632x128xf32, #tpu.memory_space<hbm>> -> memref<632x128xf32, #tpu.memory_space<hbm>>
      %dma_start3A_110 = arith.constant 0 : i32
      %dma_start3A_111 = tpu.memref_slice %arg9[%mul3A_2, %dma_start3A_110] : memref<10112x128xf32, #tpu.memory_space<vmem_shared>> -> memref<632x128xf32, #tpu.memory_space<vmem_shared>>
      tpu.enqueue_dma source(%dma_start3A_111 : memref<632x128xf32, #tpu.memory_space<vmem_shared>>) target(%dma_start3A_109 : memref<632x128xf32, #tpu.memory_space<hbm>>) target_semaphore(%run_scoped3A : memref<!tpu.dma_semaphore, #tpu.memory_space<semaphore_mem>>)
      %dma_wait3A_112 = arith.constant 0 : i32
      %dma_wait3A_113 = tpu.memref_slice %arg5[%arg0, %mul3A_2, %dma_wait3A_112] : memref<2x10112x128xf32, #tpu.memory_space<hbm>> -> memref<1x632x128xf32, #tpu.memory_space<hbm>>
      %dma_wait3A_114 = tpu.memref_squeeze %dma_wait3A_113 : memref<1x632x128xf32, #tpu.memory_space<hbm>> -> memref<632x128xf32, #tpu.memory_space<hbm>>
      %dma_wait3A_115 = arith.constant 0 : i32
      %dma_wait3A_116 = tpu.memref_slice %arg9[%mul3A_2, %dma_wait3A_115] : memref<10112x128xf32, #tpu.memory_space<vmem_shared>> -> memref<632x128xf32, #tpu.memory_space<vmem_shared>>
      tpu.wait_dma2 semaphore(%run_scoped3A : memref<!tpu.dma_semaphore, #tpu.memory_space<semaphore_mem>>) src(%dma_wait3A_116 : memref<632x128xf32, #tpu.memory_space<vmem_shared>>) dst(%dma_wait3A_114 : memref<632x128xf32, #tpu.memory_space<hbm>>)
      tpu.yield
    }) : () -> ()
    return
  }
}

#map = affine_map<(d0, d1) -> (0)>
#map1 = affine_map<(d0, d1) -> (0, 0)>
#map2 = affine_map<(d0, d1) -> (0, 0, 0)>
module attributes {stable_mosaic.version = 14 : i64} {
  func.func @body(%arg0: i32, %arg1: i32, %arg2: memref<647168xi32, #tpu.memory_space<hbm>>, %arg3: memref<10112x128xf32, #tpu.memory_space<hbm>>, %arg4: memref<128x128xf32, #tpu.memory_space<hbm>>, %arg5: memref<2x10112x128xf32, #tpu.memory_space<hbm>>, %arg6: memref<2x128xi32, #tpu.memory_space<vmem>>, %arg7: memref<128xi32, #tpu.memory_space<vmem>>, %arg8: memref<128xi32, #tpu.memory_space<vmem>>, %arg9: memref<128x128xf32, #tpu.memory_space<vmem>>, %arg10: memref<10112x128xf32, #tpu.memory_space<vmem_shared>>, %arg11: memref<2x!tpu.dma_semaphore, #tpu.memory_space<semaphore_mem>>, %arg12: memref<2x!tpu.dma_semaphore, #tpu.memory_space<semaphore_mem>>) attributes {dimension_semantics = [#tpu.dimension_semantics<core_parallel>, #tpu.dimension_semantics<subcore_parallel>], iteration_bounds = array<i64: 2, 16>, scalar_prefetch = 0 : i64, scratch_operands = 7 : i64, tpu.core_type = #tpu.core_type<sc_vector_subcore>, window_params = [{transform_indices = #map}, {transform_indices = #map1}, {transform_indices = #map1}, {transform_indices = #map2}]} {
    %mul3A = arith.constant 16 : i32
    %mul3A_0 = arith.muli %arg0, %mul3A : i32
    %add3A = arith.addi %mul3A_0, %arg1 : i32
    %mul3A_1 = arith.constant 632 : i32
    %mul3A_2 = arith.muli %arg1, %mul3A_1 : i32
    "tpu.region"() ({
      %run_scoped3A = tpu.sem_alloc : memref<!tpu.dma_semaphore, #tpu.memory_space<semaphore_mem>>
      %dma_start3A_59 = arith.constant 0 : i32
      %dma_start3A_60 = tpu.memref_slice %arg10[%mul3A_2, %dma_start3A_59] : memref<10112x128xf32, #tpu.memory_space<vmem_shared>> -> memref<632x128xf32, #tpu.memory_space<vmem_shared>>
      %dma_start3A_61 = arith.constant 0 : i32
      %dma_start3A_62 = tpu.memref_slice %arg3[%mul3A_2, %dma_start3A_61] : memref<10112x128xf32, #tpu.memory_space<hbm>> -> memref<632x128xf32, #tpu.memory_space<hbm>>
      tpu.enqueue_dma source(%dma_start3A_62 : memref<632x128xf32, #tpu.memory_space<hbm>>) target(%dma_start3A_60 : memref<632x128xf32, #tpu.memory_space<vmem_shared>>) target_semaphore(%run_scoped3A : memref<!tpu.dma_semaphore, #tpu.memory_space<semaphore_mem>>)
      %dma_wait3A_63 = arith.constant 0 : i32
      %dma_wait3A_64 = tpu.memref_slice %arg10[%mul3A_2, %dma_wait3A_63] : memref<10112x128xf32, #tpu.memory_space<vmem_shared>> -> memref<632x128xf32, #tpu.memory_space<vmem_shared>>
      %dma_wait3A_65 = arith.constant 0 : i32
      %dma_wait3A_66 = tpu.memref_slice %arg3[%mul3A_2, %dma_wait3A_65] : memref<10112x128xf32, #tpu.memory_space<hbm>> -> memref<632x128xf32, #tpu.memory_space<hbm>>
      tpu.wait_dma2 semaphore(%run_scoped3A : memref<!tpu.dma_semaphore, #tpu.memory_space<semaphore_mem>>) src(%dma_wait3A_66 : memref<632x128xf32, #tpu.memory_space<hbm>>) dst(%dma_wait3A_64 : memref<632x128xf32, #tpu.memory_space<vmem_shared>>)
      tpu.yield
    }) : () -> ()
    "tpu.region"() ({
      %run_scoped3A = tpu.sem_alloc : memref<!tpu.dma_semaphore, #tpu.memory_space<semaphore_mem>>
      tpu.enqueue_dma source(%arg4 : memref<128x128xf32, #tpu.memory_space<hbm>>) target(%arg9 : memref<128x128xf32, #tpu.memory_space<vmem>>) target_semaphore(%run_scoped3A : memref<!tpu.dma_semaphore, #tpu.memory_space<semaphore_mem>>)
      tpu.wait_dma2 semaphore(%run_scoped3A : memref<!tpu.dma_semaphore, #tpu.memory_space<semaphore_mem>>) src(%arg4 : memref<128x128xf32, #tpu.memory_space<hbm>>) dst(%arg9 : memref<128x128xf32, #tpu.memory_space<vmem>>)
      tpu.yield
    }) : () -> ()
    %barrier3A = arith.constant 0 : index
    tpu.barrier barrier_id(%barrier3A)
    %min3A = arith.constant 0 : i32
    %min3A_3 = arith.constant 78 : i32
    %min3A_4 = arith.minsi %min3A, %min3A_3 : i32
    %mul3A_5 = arith.constant 79 : i32
    %mul3A_6 = arith.muli %add3A, %mul3A_5 : i32
    %add3A_7 = arith.addi %mul3A_6, %min3A_4 : i32
    %mul3A_8 = arith.constant 256 : i32
    %mul3A_9 = arith.muli %add3A_7, %mul3A_8 : i32
    %add3A_10 = arith.constant 128 : i32
    %add3A_11 = arith.addi %mul3A_9, %add3A_10 : i32
    %rem3A = arith.constant 0 : i32
    %rem3A_12 = arith.constant 2 : i32
    %rem3A_13 = arith.remsi %rem3A, %rem3A_12 : i32
    %dma_start3A = arith.constant 0 : i32
    %dma_start3A_14 = tpu.memref_slice %arg6[%rem3A_13, %dma_start3A] : memref<2x128xi32, #tpu.memory_space<vmem>> -> memref<1x128xi32, #tpu.memory_space<vmem>>
    %dma_start3A_15 = tpu.memref_squeeze %dma_start3A_14 : memref<1x128xi32, #tpu.memory_space<vmem>> -> memref<128xi32, #tpu.memory_space<vmem>>
    %dma_start3A_16 = tpu.memref_slice %arg2[%add3A_11] : memref<647168xi32, #tpu.memory_space<hbm>> -> memref<128xi32, #tpu.memory_space<hbm>>
    %dma_start3A_17 = tpu.memref_slice %arg11[%rem3A_13] : memref<2x!tpu.dma_semaphore, #tpu.memory_space<semaphore_mem>> -> memref<1x!tpu.dma_semaphore, #tpu.memory_space<semaphore_mem>>
    %dma_start3A_18 = tpu.memref_squeeze %dma_start3A_17 : memref<1x!tpu.dma_semaphore, #tpu.memory_space<semaphore_mem>> -> memref<!tpu.dma_semaphore, #tpu.memory_space<semaphore_mem>>
    %dma_start3A_19 = arith.constant 0 : i32
    %dma_start3A_20 = tpu.memref_slice %arg6[%rem3A_13, %dma_start3A_19] : memref<2x128xi32, #tpu.memory_space<vmem>> -> memref<1x128xi32, #tpu.memory_space<vmem>>
    %dma_start3A_21 = tpu.memref_squeeze %dma_start3A_20 : memref<1x128xi32, #tpu.memory_space<vmem>> -> memref<128xi32, #tpu.memory_space<vmem>>
    %dma_start3A_22 = tpu.memref_slice %arg2[%add3A_11] : memref<647168xi32, #tpu.memory_space<hbm>> -> memref<128xi32, #tpu.memory_space<hbm>>
    tpu.enqueue_dma source(%dma_start3A_22 : memref<128xi32, #tpu.memory_space<hbm>>) target(%dma_start3A_21 : memref<128xi32, #tpu.memory_space<vmem>>) target_semaphore(%dma_start3A_18 : memref<!tpu.dma_semaphore, #tpu.memory_space<semaphore_mem>>)
    %scan3A = arith.constant 0 : i32
    %scan3A_23 = arith.constant 0 : i32
    %scan3A_24 = arith.constant 79 : i32
    %scan3A_25 = arith.addi %scan3A_23, %scan3A_24 : i32
    %scan3A_26 = arith.constant 1 : i32
    scf.for %scan3A_59 = %scan3A_23 to %scan3A_25 step %scan3A_26  : i32 {
      %rem3A_60 = arith.constant 2 : i32
      %rem3A_61 = arith.remsi %scan3A_59, %rem3A_60 : i32
      %rem3A_62 = arith.constant 2 : i32
      %rem3A_63 = arith.remsi %scan3A_59, %rem3A_62 : i32
      %dma_wait3A_64 = arith.constant 0 : i32
      %dma_wait3A_65 = tpu.memref_slice %arg6[%rem3A_63, %dma_wait3A_64] : memref<2x128xi32, #tpu.memory_space<vmem>> -> memref<1x128xi32, #tpu.memory_space<vmem>>
      %dma_wait3A_66 = tpu.memref_squeeze %dma_wait3A_65 : memref<1x128xi32, #tpu.memory_space<vmem>> -> memref<128xi32, #tpu.memory_space<vmem>>
      %dma_wait3A_67 = arith.constant 0 : i32
      %dma_wait3A_68 = tpu.memref_slice %arg2[%dma_wait3A_67] : memref<647168xi32, #tpu.memory_space<hbm>> -> memref<128xi32, #tpu.memory_space<hbm>>
      %dma_wait3A_69 = tpu.memref_slice %arg11[%rem3A_63] : memref<2x!tpu.dma_semaphore, #tpu.memory_space<semaphore_mem>> -> memref<1x!tpu.dma_semaphore, #tpu.memory_space<semaphore_mem>>
      %dma_wait3A_70 = tpu.memref_squeeze %dma_wait3A_69 : memref<1x!tpu.dma_semaphore, #tpu.memory_space<semaphore_mem>> -> memref<!tpu.dma_semaphore, #tpu.memory_space<semaphore_mem>>
      %dma_wait3A_71 = arith.constant 0 : i32
      %dma_wait3A_72 = tpu.memref_slice %arg6[%rem3A_63, %dma_wait3A_71] : memref<2x128xi32, #tpu.memory_space<vmem>> -> memref<1x128xi32, #tpu.memory_space<vmem>>
      %dma_wait3A_73 = tpu.memref_squeeze %dma_wait3A_72 : memref<1x128xi32, #tpu.memory_space<vmem>> -> memref<128xi32, #tpu.memory_space<vmem>>
      %dma_wait3A_74 = arith.constant 0 : i32
      %dma_wait3A_75 = tpu.memref_slice %arg2[%dma_wait3A_74] : memref<647168xi32, #tpu.memory_space<hbm>> -> memref<128xi32, #tpu.memory_space<hbm>>
      tpu.wait_dma2 semaphore(%dma_wait3A_70 : memref<!tpu.dma_semaphore, #tpu.memory_space<semaphore_mem>>) src(%dma_wait3A_75 : memref<128xi32, #tpu.memory_space<hbm>>) dst(%dma_wait3A_73 : memref<128xi32, #tpu.memory_space<vmem>>)
      %add3A_76 = arith.constant 1 : i32
      %add3A_77 = arith.addi %scan3A_59, %add3A_76 : i32
      %min3A_78 = arith.constant 78 : i32
      %min3A_79 = arith.minsi %add3A_77, %min3A_78 : i32
      %mul3A_80 = arith.constant 79 : i32
      %mul3A_81 = arith.muli %add3A, %mul3A_80 : i32
      %add3A_82 = arith.addi %mul3A_81, %min3A_79 : i32
      %mul3A_83 = arith.constant 256 : i32
      %mul3A_84 = arith.muli %add3A_82, %mul3A_83 : i32
      %add3A_85 = arith.constant 128 : i32
      %add3A_86 = arith.addi %mul3A_84, %add3A_85 : i32
      %rem3A_87 = arith.constant 2 : i32
      %rem3A_88 = arith.remsi %add3A_77, %rem3A_87 : i32
      %dma_start3A_89 = arith.constant 0 : i32
      %dma_start3A_90 = tpu.memref_slice %arg6[%rem3A_88, %dma_start3A_89] : memref<2x128xi32, #tpu.memory_space<vmem>> -> memref<1x128xi32, #tpu.memory_space<vmem>>
      %dma_start3A_91 = tpu.memref_squeeze %dma_start3A_90 : memref<1x128xi32, #tpu.memory_space<vmem>> -> memref<128xi32, #tpu.memory_space<vmem>>
      %dma_start3A_92 = tpu.memref_slice %arg2[%add3A_86] : memref<647168xi32, #tpu.memory_space<hbm>> -> memref<128xi32, #tpu.memory_space<hbm>>
      %dma_start3A_93 = tpu.memref_slice %arg11[%rem3A_88] : memref<2x!tpu.dma_semaphore, #tpu.memory_space<semaphore_mem>> -> memref<1x!tpu.dma_semaphore, #tpu.memory_space<semaphore_mem>>
      %dma_start3A_94 = tpu.memref_squeeze %dma_start3A_93 : memref<1x!tpu.dma_semaphore, #tpu.memory_space<semaphore_mem>> -> memref<!tpu.dma_semaphore, #tpu.memory_space<semaphore_mem>>
      %dma_start3A_95 = arith.constant 0 : i32
      %dma_start3A_96 = tpu.memref_slice %arg6[%rem3A_88, %dma_start3A_95] : memref<2x128xi32, #tpu.memory_space<vmem>> -> memref<1x128xi32, #tpu.memory_space<vmem>>
      %dma_start3A_97 = tpu.memref_squeeze %dma_start3A_96 : memref<1x128xi32, #tpu.memory_space<vmem>> -> memref<128xi32, #tpu.memory_space<vmem>>
      %dma_start3A_98 = tpu.memref_slice %arg2[%add3A_86] : memref<647168xi32, #tpu.memory_space<hbm>> -> memref<128xi32, #tpu.memory_space<hbm>>
      tpu.enqueue_dma source(%dma_start3A_98 : memref<128xi32, #tpu.memory_space<hbm>>) target(%dma_start3A_97 : memref<128xi32, #tpu.memory_space<vmem>>) target_semaphore(%dma_start3A_94 : memref<!tpu.dma_semaphore, #tpu.memory_space<semaphore_mem>>)
      %ge3A = arith.constant 2 : i32
      %ge3A_99 = arith.cmpi sge, %scan3A_59, %ge3A : i32
      %convert_element_type3A = arith.extui %ge3A_99 : i1 to i32
      %cond3A = arith.constant 0 : i32
      %cond3A_100 = arith.cmpi ne, %convert_element_type3A, %cond3A : i32
      scf.if %cond3A_100 {
        %sub3A = arith.constant 2 : i32
        %sub3A_110 = arith.subi %scan3A_59, %sub3A : i32
        %rem3A_111 = arith.constant 2 : i32
        %rem3A_112 = arith.remsi %sub3A_110, %rem3A_111 : i32
        %dma_wait3A_113 = arith.constant 0 : i32
        %dma_wait3A_114 = arith.constant 0 : i32
        %dma_wait3A_115 = tpu.memref_slice %arg10[%dma_wait3A_113, %dma_wait3A_114] : memref<10112x128xf32, #tpu.memory_space<vmem_shared>> -> memref<10112x128xf32, #tpu.memory_space<vmem_shared>>
        %dma_wait3A_116 = tpu.memref_slice %arg12[%rem3A_112] : memref<2x!tpu.dma_semaphore, #tpu.memory_space<semaphore_mem>> -> memref<1x!tpu.dma_semaphore, #tpu.memory_space<semaphore_mem>>
        %dma_wait3A_117 = tpu.memref_squeeze %dma_wait3A_116 : memref<1x!tpu.dma_semaphore, #tpu.memory_space<semaphore_mem>> -> memref<!tpu.dma_semaphore, #tpu.memory_space<semaphore_mem>>
        tpu.wait_indirect_dma semaphore(%dma_wait3A_117 : memref<!tpu.dma_semaphore, #tpu.memory_space<semaphore_mem>>) src(%arg9 : memref<128x128xf32, #tpu.memory_space<vmem>>) dst(%dma_wait3A_115 : memref<10112x128xf32, #tpu.memory_space<vmem_shared>>)
      } else {
      }
      %eq3A = arith.constant 0 : i32
      %eq3A_101 = arith.cmpi eq, %rem3A_61, %eq3A : i32
      %convert_element_type3A_102 = arith.extui %eq3A_101 : i1 to i32
      %cond3A_103 = arith.constant 0 : i32
      %cond3A_104 = arith.cmpi ne, %convert_element_type3A_102, %cond3A_103 : i32
      scf.if %cond3A_104 {
        %rem3A_110 = arith.constant 2 : i32
        %rem3A_111 = arith.remsi %scan3A_59, %rem3A_110 : i32
        %get3A = arith.index_cast %rem3A_111 : i32 to index
        %get3A_112 = arith.constant 0 : index
        %get3A_113 = tpu.vector_load %arg6[%get3A, %get3A_112] {strides = array<i32>} : memref<2x128xi32, #tpu.memory_space<vmem>>, vector<1x16xi32>,
        %get3A_114 = vector.shape_cast %get3A_113 : vector<1x16xi32> to vector<16xi32>
        %swap3A = arith.constant 0 : index
        %swap3A_115 = tpu.vector_load %arg7[%swap3A] {strides = array<i32>} : memref<128xi32, #tpu.memory_space<vmem>>, vector<16xi32>,
        %swap3A_116 = vector.shape_cast %swap3A_115 : vector<16xi32> to vector<16xi32>
        %swap3A_117 = vector.shape_cast %get3A_114 : vector<16xi32> to vector<16xi32>
        tpu.vector_store %arg7[%swap3A], %swap3A_117 {strides = array<i32>} : memref<128xi32, #tpu.memory_space<vmem>>, vector<16xi32>,
        %get3A_118 = arith.index_cast %rem3A_111 : i32 to index
        %get3A_119 = arith.constant 16 : index
        %get3A_120 = tpu.vector_load %arg6[%get3A_118, %get3A_119] {strides = array<i32>} : memref<2x128xi32, #tpu.memory_space<vmem>>, vector<1x16xi32>,
        %get3A_121 = vector.shape_cast %get3A_120 : vector<1x16xi32> to vector<16xi32>
        %swap3A_122 = arith.constant 16 : index
        %swap3A_123 = tpu.vector_load %arg7[%swap3A_122] {strides = array<i32>} : memref<128xi32, #tpu.memory_space<vmem>>, vector<16xi32>,
        %swap3A_124 = vector.shape_cast %swap3A_123 : vector<16xi32> to vector<16xi32>
        %swap3A_125 = vector.shape_cast %get3A_121 : vector<16xi32> to vector<16xi32>
        tpu.vector_store %arg7[%swap3A_122], %swap3A_125 {strides = array<i32>} : memref<128xi32, #tpu.memory_space<vmem>>, vector<16xi32>,
        %get3A_126 = arith.index_cast %rem3A_111 : i32 to index
        %get3A_127 = arith.constant 32 : index
        %get3A_128 = tpu.vector_load %arg6[%get3A_126, %get3A_127] {strides = array<i32>} : memref<2x128xi32, #tpu.memory_space<vmem>>, vector<1x16xi32>,
        %get3A_129 = vector.shape_cast %get3A_128 : vector<1x16xi32> to vector<16xi32>
        %swap3A_130 = arith.constant 32 : index
        %swap3A_131 = tpu.vector_load %arg7[%swap3A_130] {strides = array<i32>} : memref<128xi32, #tpu.memory_space<vmem>>, vector<16xi32>,
        %swap3A_132 = vector.shape_cast %swap3A_131 : vector<16xi32> to vector<16xi32>
        %swap3A_133 = vector.shape_cast %get3A_129 : vector<16xi32> to vector<16xi32>
        tpu.vector_store %arg7[%swap3A_130], %swap3A_133 {strides = array<i32>} : memref<128xi32, #tpu.memory_space<vmem>>, vector<16xi32>,
        %get3A_134 = arith.index_cast %rem3A_111 : i32 to index
        %get3A_135 = arith.constant 48 : index
        %get3A_136 = tpu.vector_load %arg6[%get3A_134, %get3A_135] {strides = array<i32>} : memref<2x128xi32, #tpu.memory_space<vmem>>, vector<1x16xi32>,
        %get3A_137 = vector.shape_cast %get3A_136 : vector<1x16xi32> to vector<16xi32>
        %swap3A_138 = arith.constant 48 : index
        %swap3A_139 = tpu.vector_load %arg7[%swap3A_138] {strides = array<i32>} : memref<128xi32, #tpu.memory_space<vmem>>, vector<16xi32>,
        %swap3A_140 = vector.shape_cast %swap3A_139 : vector<16xi32> to vector<16xi32>
        %swap3A_141 = vector.shape_cast %get3A_137 : vector<16xi32> to vector<16xi32>
        tpu.vector_store %arg7[%swap3A_138], %swap3A_141 {strides = array<i32>} : memref<128xi32, #tpu.memory_space<vmem>>, vector<16xi32>,
        %get3A_142 = arith.index_cast %rem3A_111 : i32 to index
        %get3A_143 = arith.constant 64 : index
        %get3A_144 = tpu.vector_load %arg6[%get3A_142, %get3A_143] {strides = array<i32>} : memref<2x128xi32, #tpu.memory_space<vmem>>, vector<1x16xi32>,
        %get3A_145 = vector.shape_cast %get3A_144 : vector<1x16xi32> to vector<16xi32>
        %swap3A_146 = arith.constant 64 : index
        %swap3A_147 = tpu.vector_load %arg7[%swap3A_146] {strides = array<i32>} : memref<128xi32, #tpu.memory_space<vmem>>, vector<16xi32>,
        %swap3A_148 = vector.shape_cast %swap3A_147 : vector<16xi32> to vector<16xi32>
        %swap3A_149 = vector.shape_cast %get3A_145 : vector<16xi32> to vector<16xi32>
        tpu.vector_store %arg7[%swap3A_146], %swap3A_149 {strides = array<i32>} : memref<128xi32, #tpu.memory_space<vmem>>, vector<16xi32>,
        %get3A_150 = arith.index_cast %rem3A_111 : i32 to index
        %get3A_151 = arith.constant 80 : index
        %get3A_152 = tpu.vector_load %arg6[%get3A_150, %get3A_151] {strides = array<i32>} : memref<2x128xi32, #tpu.memory_space<vmem>>, vector<1x16xi32>,
        %get3A_153 = vector.shape_cast %get3A_152 : vector<1x16xi32> to vector<16xi32>
        %swap3A_154 = arith.constant 80 : index
        %swap3A_155 = tpu.vector_load %arg7[%swap3A_154] {strides = array<i32>} : memref<128xi32, #tpu.memory_space<vmem>>, vector<16xi32>,
        %swap3A_156 = vector.shape_cast %swap3A_155 : vector<16xi32> to vector<16xi32>
        %swap3A_157 = vector.shape_cast %get3A_153 : vector<16xi32> to vector<16xi32>
        tpu.vector_store %arg7[%swap3A_154], %swap3A_157 {strides = array<i32>} : memref<128xi32, #tpu.memory_space<vmem>>, vector<16xi32>,
        %get3A_158 = arith.index_cast %rem3A_111 : i32 to index
        %get3A_159 = arith.constant 96 : index
        %get3A_160 = tpu.vector_load %arg6[%get3A_158, %get3A_159] {strides = array<i32>} : memref<2x128xi32, #tpu.memory_space<vmem>>, vector<1x16xi32>,
        %get3A_161 = vector.shape_cast %get3A_160 : vector<1x16xi32> to vector<16xi32>
        %swap3A_162 = arith.constant 96 : index
        %swap3A_163 = tpu.vector_load %arg7[%swap3A_162] {strides = array<i32>} : memref<128xi32, #tpu.memory_space<vmem>>, vector<16xi32>,
        %swap3A_164 = vector.shape_cast %swap3A_163 : vector<16xi32> to vector<16xi32>
        %swap3A_165 = vector.shape_cast %get3A_161 : vector<16xi32> to vector<16xi32>
        tpu.vector_store %arg7[%swap3A_162], %swap3A_165 {strides = array<i32>} : memref<128xi32, #tpu.memory_space<vmem>>, vector<16xi32>,
        %get3A_166 = arith.index_cast %rem3A_111 : i32 to index
        %get3A_167 = arith.constant 112 : index
        %get3A_168 = tpu.vector_load %arg6[%get3A_166, %get3A_167] {strides = array<i32>} : memref<2x128xi32, #tpu.memory_space<vmem>>, vector<1x16xi32>,
        %get3A_169 = vector.shape_cast %get3A_168 : vector<1x16xi32> to vector<16xi32>
        %swap3A_170 = arith.constant 112 : index
        %swap3A_171 = tpu.vector_load %arg7[%swap3A_170] {strides = array<i32>} : memref<128xi32, #tpu.memory_space<vmem>>, vector<16xi32>,
        %swap3A_172 = vector.shape_cast %swap3A_171 : vector<16xi32> to vector<16xi32>
        %swap3A_173 = vector.shape_cast %get3A_169 : vector<16xi32> to vector<16xi32>
        tpu.vector_store %arg7[%swap3A_170], %swap3A_173 {strides = array<i32>} : memref<128xi32, #tpu.memory_space<vmem>>, vector<16xi32>,
        %dma_start3A_174 = arith.constant 0 : i32
        %dma_start3A_175 = arith.constant 0 : i32
        %dma_start3A_176 = tpu.memref_slice %arg10[%dma_start3A_174, %dma_start3A_175] : memref<10112x128xf32, #tpu.memory_space<vmem_shared>> -> memref<10112x128xf32, #tpu.memory_space<vmem_shared>>
        %dma_start3A_177 = tpu.memref_slice %arg12[%rem3A_111] : memref<2x!tpu.dma_semaphore, #tpu.memory_space<semaphore_mem>> -> memref<1x!tpu.dma_semaphore, #tpu.memory_space<semaphore_mem>>
        %dma_start3A_178 = tpu.memref_squeeze %dma_start3A_177 : memref<1x!tpu.dma_semaphore, #tpu.memory_space<semaphore_mem>> -> memref<!tpu.dma_semaphore, #tpu.memory_space<semaphore_mem>>
        tpu.enqueue_indirect_dma source(%arg9 : memref<128x128xf32, #tpu.memory_space<vmem>>) target(%dma_start3A_176 : memref<10112x128xf32, #tpu.memory_space<vmem_shared>>) offsets(%arg7 : memref<128xi32, #tpu.memory_space<vmem>>) semaphore(%dma_start3A_178 : memref<!tpu.dma_semaphore, #tpu.memory_space<semaphore_mem>>) {add = true}
      } else {
      }
      %eq3A_105 = arith.constant 1 : i32
      %eq3A_106 = arith.cmpi eq, %rem3A_61, %eq3A_105 : i32
      %convert_element_type3A_107 = arith.extui %eq3A_106 : i1 to i32
      %cond3A_108 = arith.constant 0 : i32
      %cond3A_109 = arith.cmpi ne, %convert_element_type3A_107, %cond3A_108 : i32
      scf.if %cond3A_109 {
        %rem3A_110 = arith.constant 2 : i32
        %rem3A_111 = arith.remsi %scan3A_59, %rem3A_110 : i32
        %get3A = arith.index_cast %rem3A_111 : i32 to index
        %get3A_112 = arith.constant 0 : index
        %get3A_113 = tpu.vector_load %arg6[%get3A, %get3A_112] {strides = array<i32>} : memref<2x128xi32, #tpu.memory_space<vmem>>, vector<1x16xi32>,
        %get3A_114 = vector.shape_cast %get3A_113 : vector<1x16xi32> to vector<16xi32>
        %swap3A = arith.constant 0 : index
        %swap3A_115 = tpu.vector_load %arg8[%swap3A] {strides = array<i32>} : memref<128xi32, #tpu.memory_space<vmem>>, vector<16xi32>,
        %swap3A_116 = vector.shape_cast %swap3A_115 : vector<16xi32> to vector<16xi32>
        %swap3A_117 = vector.shape_cast %get3A_114 : vector<16xi32> to vector<16xi32>
        tpu.vector_store %arg8[%swap3A], %swap3A_117 {strides = array<i32>} : memref<128xi32, #tpu.memory_space<vmem>>, vector<16xi32>,
        %get3A_118 = arith.index_cast %rem3A_111 : i32 to index
        %get3A_119 = arith.constant 16 : index
        %get3A_120 = tpu.vector_load %arg6[%get3A_118, %get3A_119] {strides = array<i32>} : memref<2x128xi32, #tpu.memory_space<vmem>>, vector<1x16xi32>,
        %get3A_121 = vector.shape_cast %get3A_120 : vector<1x16xi32> to vector<16xi32>
        %swap3A_122 = arith.constant 16 : index
        %swap3A_123 = tpu.vector_load %arg8[%swap3A_122] {strides = array<i32>} : memref<128xi32, #tpu.memory_space<vmem>>, vector<16xi32>,
        %swap3A_124 = vector.shape_cast %swap3A_123 : vector<16xi32> to vector<16xi32>
        %swap3A_125 = vector.shape_cast %get3A_121 : vector<16xi32> to vector<16xi32>
        tpu.vector_store %arg8[%swap3A_122], %swap3A_125 {strides = array<i32>} : memref<128xi32, #tpu.memory_space<vmem>>, vector<16xi32>,
        %get3A_126 = arith.index_cast %rem3A_111 : i32 to index
        %get3A_127 = arith.constant 32 : index
        %get3A_128 = tpu.vector_load %arg6[%get3A_126, %get3A_127] {strides = array<i32>} : memref<2x128xi32, #tpu.memory_space<vmem>>, vector<1x16xi32>,
        %get3A_129 = vector.shape_cast %get3A_128 : vector<1x16xi32> to vector<16xi32>
        %swap3A_130 = arith.constant 32 : index
        %swap3A_131 = tpu.vector_load %arg8[%swap3A_130] {strides = array<i32>} : memref<128xi32, #tpu.memory_space<vmem>>, vector<16xi32>,
        %swap3A_132 = vector.shape_cast %swap3A_131 : vector<16xi32> to vector<16xi32>
        %swap3A_133 = vector.shape_cast %get3A_129 : vector<16xi32> to vector<16xi32>
        tpu.vector_store %arg8[%swap3A_130], %swap3A_133 {strides = array<i32>} : memref<128xi32, #tpu.memory_space<vmem>>, vector<16xi32>,
        %get3A_134 = arith.index_cast %rem3A_111 : i32 to index
        %get3A_135 = arith.constant 48 : index
        %get3A_136 = tpu.vector_load %arg6[%get3A_134, %get3A_135] {strides = array<i32>} : memref<2x128xi32, #tpu.memory_space<vmem>>, vector<1x16xi32>,
        %get3A_137 = vector.shape_cast %get3A_136 : vector<1x16xi32> to vector<16xi32>
        %swap3A_138 = arith.constant 48 : index
        %swap3A_139 = tpu.vector_load %arg8[%swap3A_138] {strides = array<i32>} : memref<128xi32, #tpu.memory_space<vmem>>, vector<16xi32>,
        %swap3A_140 = vector.shape_cast %swap3A_139 : vector<16xi32> to vector<16xi32>
        %swap3A_141 = vector.shape_cast %get3A_137 : vector<16xi32> to vector<16xi32>
        tpu.vector_store %arg8[%swap3A_138], %swap3A_141 {strides = array<i32>} : memref<128xi32, #tpu.memory_space<vmem>>, vector<16xi32>,
        %get3A_142 = arith.index_cast %rem3A_111 : i32 to index
        %get3A_143 = arith.constant 64 : index
        %get3A_144 = tpu.vector_load %arg6[%get3A_142, %get3A_143] {strides = array<i32>} : memref<2x128xi32, #tpu.memory_space<vmem>>, vector<1x16xi32>,
        %get3A_145 = vector.shape_cast %get3A_144 : vector<1x16xi32> to vector<16xi32>
        %swap3A_146 = arith.constant 64 : index
        %swap3A_147 = tpu.vector_load %arg8[%swap3A_146] {strides = array<i32>} : memref<128xi32, #tpu.memory_space<vmem>>, vector<16xi32>,
        %swap3A_148 = vector.shape_cast %swap3A_147 : vector<16xi32> to vector<16xi32>
        %swap3A_149 = vector.shape_cast %get3A_145 : vector<16xi32> to vector<16xi32>
        tpu.vector_store %arg8[%swap3A_146], %swap3A_149 {strides = array<i32>} : memref<128xi32, #tpu.memory_space<vmem>>, vector<16xi32>,
        %get3A_150 = arith.index_cast %rem3A_111 : i32 to index
        %get3A_151 = arith.constant 80 : index
        %get3A_152 = tpu.vector_load %arg6[%get3A_150, %get3A_151] {strides = array<i32>} : memref<2x128xi32, #tpu.memory_space<vmem>>, vector<1x16xi32>,
        %get3A_153 = vector.shape_cast %get3A_152 : vector<1x16xi32> to vector<16xi32>
        %swap3A_154 = arith.constant 80 : index
        %swap3A_155 = tpu.vector_load %arg8[%swap3A_154] {strides = array<i32>} : memref<128xi32, #tpu.memory_space<vmem>>, vector<16xi32>,
        %swap3A_156 = vector.shape_cast %swap3A_155 : vector<16xi32> to vector<16xi32>
        %swap3A_157 = vector.shape_cast %get3A_153 : vector<16xi32> to vector<16xi32>
        tpu.vector_store %arg8[%swap3A_154], %swap3A_157 {strides = array<i32>} : memref<128xi32, #tpu.memory_space<vmem>>, vector<16xi32>,
        %get3A_158 = arith.index_cast %rem3A_111 : i32 to index
        %get3A_159 = arith.constant 96 : index
        %get3A_160 = tpu.vector_load %arg6[%get3A_158, %get3A_159] {strides = array<i32>} : memref<2x128xi32, #tpu.memory_space<vmem>>, vector<1x16xi32>,
        %get3A_161 = vector.shape_cast %get3A_160 : vector<1x16xi32> to vector<16xi32>
        %swap3A_162 = arith.constant 96 : index
        %swap3A_163 = tpu.vector_load %arg8[%swap3A_162] {strides = array<i32>} : memref<128xi32, #tpu.memory_space<vmem>>, vector<16xi32>,
        %swap3A_164 = vector.shape_cast %swap3A_163 : vector<16xi32> to vector<16xi32>
        %swap3A_165 = vector.shape_cast %get3A_161 : vector<16xi32> to vector<16xi32>
        tpu.vector_store %arg8[%swap3A_162], %swap3A_165 {strides = array<i32>} : memref<128xi32, #tpu.memory_space<vmem>>, vector<16xi32>,
        %get3A_166 = arith.index_cast %rem3A_111 : i32 to index
        %get3A_167 = arith.constant 112 : index
        %get3A_168 = tpu.vector_load %arg6[%get3A_166, %get3A_167] {strides = array<i32>} : memref<2x128xi32, #tpu.memory_space<vmem>>, vector<1x16xi32>,
        %get3A_169 = vector.shape_cast %get3A_168 : vector<1x16xi32> to vector<16xi32>
        %swap3A_170 = arith.constant 112 : index
        %swap3A_171 = tpu.vector_load %arg8[%swap3A_170] {strides = array<i32>} : memref<128xi32, #tpu.memory_space<vmem>>, vector<16xi32>,
        %swap3A_172 = vector.shape_cast %swap3A_171 : vector<16xi32> to vector<16xi32>
        %swap3A_173 = vector.shape_cast %get3A_169 : vector<16xi32> to vector<16xi32>
        tpu.vector_store %arg8[%swap3A_170], %swap3A_173 {strides = array<i32>} : memref<128xi32, #tpu.memory_space<vmem>>, vector<16xi32>,
        %dma_start3A_174 = arith.constant 0 : i32
        %dma_start3A_175 = arith.constant 0 : i32
        %dma_start3A_176 = tpu.memref_slice %arg10[%dma_start3A_174, %dma_start3A_175] : memref<10112x128xf32, #tpu.memory_space<vmem_shared>> -> memref<10112x128xf32, #tpu.memory_space<vmem_shared>>
        %dma_start3A_177 = tpu.memref_slice %arg12[%rem3A_111] : memref<2x!tpu.dma_semaphore, #tpu.memory_space<semaphore_mem>> -> memref<1x!tpu.dma_semaphore, #tpu.memory_space<semaphore_mem>>
        %dma_start3A_178 = tpu.memref_squeeze %dma_start3A_177 : memref<1x!tpu.dma_semaphore, #tpu.memory_space<semaphore_mem>> -> memref<!tpu.dma_semaphore, #tpu.memory_space<semaphore_mem>>
        tpu.enqueue_indirect_dma source(%arg9 : memref<128x128xf32, #tpu.memory_space<vmem>>) target(%dma_start3A_176 : memref<10112x128xf32, #tpu.memory_space<vmem_shared>>) offsets(%arg8 : memref<128xi32, #tpu.memory_space<vmem>>) semaphore(%dma_start3A_178 : memref<!tpu.dma_semaphore, #tpu.memory_space<semaphore_mem>>) {add = true}
      } else {
      }
    }
    %scan3A_27 = arith.constant 79 : i32
    %rem3A_28 = arith.constant 79 : i32
    %rem3A_29 = arith.constant 2 : i32
    %rem3A_30 = arith.remsi %rem3A_28, %rem3A_29 : i32
    %dma_wait3A = arith.constant 0 : i32
    %dma_wait3A_31 = tpu.memref_slice %arg6[%rem3A_30, %dma_wait3A] : memref<2x128xi32, #tpu.memory_space<vmem>> -> memref<1x128xi32, #tpu.memory_space<vmem>>
    %dma_wait3A_32 = tpu.memref_squeeze %dma_wait3A_31 : memref<1x128xi32, #tpu.memory_space<vmem>> -> memref<128xi32, #tpu.memory_space<vmem>>
    %dma_wait3A_33 = arith.constant 0 : i32
    %dma_wait3A_34 = tpu.memref_slice %arg2[%dma_wait3A_33] : memref<647168xi32, #tpu.memory_space<hbm>> -> memref<128xi32, #tpu.memory_space<hbm>>
    %dma_wait3A_35 = tpu.memref_slice %arg11[%rem3A_30] : memref<2x!tpu.dma_semaphore, #tpu.memory_space<semaphore_mem>> -> memref<1x!tpu.dma_semaphore, #tpu.memory_space<semaphore_mem>>
    %dma_wait3A_36 = tpu.memref_squeeze %dma_wait3A_35 : memref<1x!tpu.dma_semaphore, #tpu.memory_space<semaphore_mem>> -> memref<!tpu.dma_semaphore, #tpu.memory_space<semaphore_mem>>
    %dma_wait3A_37 = arith.constant 0 : i32
    %dma_wait3A_38 = tpu.memref_slice %arg6[%rem3A_30, %dma_wait3A_37] : memref<2x128xi32, #tpu.memory_space<vmem>> -> memref<1x128xi32, #tpu.memory_space<vmem>>
    %dma_wait3A_39 = tpu.memref_squeeze %dma_wait3A_38 : memref<1x128xi32, #tpu.memory_space<vmem>> -> memref<128xi32, #tpu.memory_space<vmem>>
    %dma_wait3A_40 = arith.constant 0 : i32
    %dma_wait3A_41 = tpu.memref_slice %arg2[%dma_wait3A_40] : memref<647168xi32, #tpu.memory_space<hbm>> -> memref<128xi32, #tpu.memory_space<hbm>>
    tpu.wait_dma2 semaphore(%dma_wait3A_36 : memref<!tpu.dma_semaphore, #tpu.memory_space<semaphore_mem>>) src(%dma_wait3A_41 : memref<128xi32, #tpu.memory_space<hbm>>) dst(%dma_wait3A_39 : memref<128xi32, #tpu.memory_space<vmem>>)
    %rem3A_42 = arith.constant 77 : i32
    %rem3A_43 = arith.constant 2 : i32
    %rem3A_44 = arith.remsi %rem3A_42, %rem3A_43 : i32
    %dma_wait3A_45 = arith.constant 0 : i32
    %dma_wait3A_46 = arith.constant 0 : i32
    %dma_wait3A_47 = tpu.memref_slice %arg10[%dma_wait3A_45, %dma_wait3A_46] : memref<10112x128xf32, #tpu.memory_space<vmem_shared>> -> memref<10112x128xf32, #tpu.memory_space<vmem_shared>>
    %dma_wait3A_48 = tpu.memref_slice %arg12[%rem3A_44] : memref<2x!tpu.dma_semaphore, #tpu.memory_space<semaphore_mem>> -> memref<1x!tpu.dma_semaphore, #tpu.memory_space<semaphore_mem>>
    %dma_wait3A_49 = tpu.memref_squeeze %dma_wait3A_48 : memref<1x!tpu.dma_semaphore, #tpu.memory_space<semaphore_mem>> -> memref<!tpu.dma_semaphore, #tpu.memory_space<semaphore_mem>>
    tpu.wait_indirect_dma semaphore(%dma_wait3A_49 : memref<!tpu.dma_semaphore, #tpu.memory_space<semaphore_mem>>) src(%arg9 : memref<128x128xf32, #tpu.memory_space<vmem>>) dst(%dma_wait3A_47 : memref<10112x128xf32, #tpu.memory_space<vmem_shared>>)
    %rem3A_50 = arith.constant 78 : i32
    %rem3A_51 = arith.constant 2 : i32
    %rem3A_52 = arith.remsi %rem3A_50, %rem3A_51 : i32
    %dma_wait3A_53 = arith.constant 0 : i32
    %dma_wait3A_54 = arith.constant 0 : i32
    %dma_wait3A_55 = tpu.memref_slice %arg10[%dma_wait3A_53, %dma_wait3A_54] : memref<10112x128xf32, #tpu.memory_space<vmem_shared>> -> memref<10112x128xf32, #tpu.memory_space<vmem_shared>>
    %dma_wait3A_56 = tpu.memref_slice %arg12[%rem3A_52] : memref<2x!tpu.dma_semaphore, #tpu.memory_space<semaphore_mem>> -> memref<1x!tpu.dma_semaphore, #tpu.memory_space<semaphore_mem>>
    %dma_wait3A_57 = tpu.memref_squeeze %dma_wait3A_56 : memref<1x!tpu.dma_semaphore, #tpu.memory_space<semaphore_mem>> -> memref<!tpu.dma_semaphore, #tpu.memory_space<semaphore_mem>>
    tpu.wait_indirect_dma semaphore(%dma_wait3A_57 : memref<!tpu.dma_semaphore, #tpu.memory_space<semaphore_mem>>) src(%arg9 : memref<128x128xf32, #tpu.memory_space<vmem>>) dst(%dma_wait3A_55 : memref<10112x128xf32, #tpu.memory_space<vmem_shared>>)
    %barrier3A_58 = arith.constant 0 : index
    tpu.barrier barrier_id(%barrier3A_58)
    "tpu.region"() ({
      %run_scoped3A = tpu.sem_alloc : memref<!tpu.dma_semaphore, #tpu.memory_space<semaphore_mem>>
      %dma_start3A_59 = arith.constant 0 : i32
      %dma_start3A_60 = tpu.memref_slice %arg5[%arg0, %mul3A_2, %dma_start3A_59] : memref<2x10112x128xf32, #tpu.memory_space<hbm>> -> memref<1x632x128xf32, #tpu.memory_space<hbm>>
      %dma_start3A_61 = tpu.memref_squeeze %dma_start3A_60 : memref<1x632x128xf32, #tpu.memory_space<hbm>> -> memref<632x128xf32, #tpu.memory_space<hbm>>
      %dma_start3A_62 = arith.constant 0 : i32
      %dma_start3A_63 = tpu.memref_slice %arg10[%mul3A_2, %dma_start3A_62] : memref<10112x128xf32, #tpu.memory_space<vmem_shared>> -> memref<632x128xf32, #tpu.memory_space<vmem_shared>>
      tpu.enqueue_dma source(%dma_start3A_63 : memref<632x128xf32, #tpu.memory_space<vmem_shared>>) target(%dma_start3A_61 : memref<632x128xf32, #tpu.memory_space<hbm>>) target_semaphore(%run_scoped3A : memref<!tpu.dma_semaphore, #tpu.memory_space<semaphore_mem>>)
      %dma_wait3A_64 = arith.constant 0 : i32
      %dma_wait3A_65 = tpu.memref_slice %arg5[%arg0, %mul3A_2, %dma_wait3A_64] : memref<2x10112x128xf32, #tpu.memory_space<hbm>> -> memref<1x632x128xf32, #tpu.memory_space<hbm>>
      %dma_wait3A_66 = tpu.memref_squeeze %dma_wait3A_65 : memref<1x632x128xf32, #tpu.memory_space<hbm>> -> memref<632x128xf32, #tpu.memory_space<hbm>>
      %dma_wait3A_67 = arith.constant 0 : i32
      %dma_wait3A_68 = tpu.memref_slice %arg10[%mul3A_2, %dma_wait3A_67] : memref<10112x128xf32, #tpu.memory_space<vmem_shared>> -> memref<632x128xf32, #tpu.memory_space<vmem_shared>>
      tpu.wait_dma2 semaphore(%run_scoped3A : memref<!tpu.dma_semaphore, #tpu.memory_space<semaphore_mem>>) src(%dma_wait3A_68 : memref<632x128xf32, #tpu.memory_space<vmem_shared>>) dst(%dma_wait3A_66 : memref<632x128xf32, #tpu.memory_space<hbm>>)
      tpu.yield
    }) : () -> ()
    return
  }
}

#map = affine_map<(d0, d1) -> (0, 0)>
#map1 = affine_map<(d0, d1) -> (0)>
#map2 = affine_map<(d0, d1) -> (0, 0, 0)>
module attributes {stable_mosaic.version = 14 : i64} {
  func.func @body(%arg0: i32, %arg1: i32, %arg2: memref<10000x128xf32, #tpu.memory_space<hbm>>, %arg3: memref<647168xi32, #tpu.memory_space<hbm>>, %arg4: memref<10112x128xf32, #tpu.memory_space<hbm>>, %arg5: memref<2x10112x128xf32, #tpu.memory_space<hbm>>, %arg6: memref<2x256xi32, #tpu.memory_space<vmem>>, %arg7: memref<128xi32, #tpu.memory_space<vmem>>, %arg8: memref<2x128x128xf32, #tpu.memory_space<vmem>>, %arg9: memref<10112x128xf32, #tpu.memory_space<vmem_shared>>, %arg10: memref<2x!tpu.dma_semaphore, #tpu.memory_space<semaphore_mem>>, %arg11: memref<2x!tpu.dma_semaphore, #tpu.memory_space<semaphore_mem>>) attributes {dimension_semantics = [#tpu.dimension_semantics<core_parallel>, #tpu.dimension_semantics<subcore_parallel>], iteration_bounds = array<i64: 2, 16>, scalar_prefetch = 0 : i64, scratch_operands = 6 : i64, tpu.core_type = #tpu.core_type<sc_vector_subcore>, window_params = [{transform_indices = #map}, {transform_indices = #map1}, {transform_indices = #map}, {transform_indices = #map2}]} {
    %mul3A = arith.constant 16 : i32
    %mul3A_0 = arith.muli %arg0, %mul3A : i32
    %add3A = arith.addi %mul3A_0, %arg1 : i32
    %mul3A_1 = arith.constant 632 : i32
    %mul3A_2 = arith.muli %arg1, %mul3A_1 : i32
    "tpu.region"() ({
      %run_scoped3A = tpu.sem_alloc : memref<!tpu.dma_semaphore, #tpu.memory_space<semaphore_mem>>
      %dma_start3A_107 = arith.constant 0 : i32
      %dma_start3A_108 = tpu.memref_slice %arg9[%mul3A_2, %dma_start3A_107] : memref<10112x128xf32, #tpu.memory_space<vmem_shared>> -> memref<632x128xf32, #tpu.memory_space<vmem_shared>>
      %dma_start3A_109 = arith.constant 0 : i32
      %dma_start3A_110 = tpu.memref_slice %arg4[%mul3A_2, %dma_start3A_109] : memref<10112x128xf32, #tpu.memory_space<hbm>> -> memref<632x128xf32, #tpu.memory_space<hbm>>
      tpu.enqueue_dma source(%dma_start3A_110 : memref<632x128xf32, #tpu.memory_space<hbm>>) target(%dma_start3A_108 : memref<632x128xf32, #tpu.memory_space<vmem_shared>>) target_semaphore(%run_scoped3A : memref<!tpu.dma_semaphore, #tpu.memory_space<semaphore_mem>>)
      %dma_wait3A_111 = arith.constant 0 : i32
      %dma_wait3A_112 = tpu.memref_slice %arg9[%mul3A_2, %dma_wait3A_111] : memref<10112x128xf32, #tpu.memory_space<vmem_shared>> -> memref<632x128xf32, #tpu.memory_space<vmem_shared>>
      %dma_wait3A_113 = arith.constant 0 : i32
      %dma_wait3A_114 = tpu.memref_slice %arg4[%mul3A_2, %dma_wait3A_113] : memref<10112x128xf32, #tpu.memory_space<hbm>> -> memref<632x128xf32, #tpu.memory_space<hbm>>
      tpu.wait_dma2 semaphore(%run_scoped3A : memref<!tpu.dma_semaphore, #tpu.memory_space<semaphore_mem>>) src(%dma_wait3A_114 : memref<632x128xf32, #tpu.memory_space<hbm>>) dst(%dma_wait3A_112 : memref<632x128xf32, #tpu.memory_space<vmem_shared>>)
      tpu.yield
    }) : () -> ()
    %barrier3A = arith.constant 0 : index
    tpu.barrier barrier_id(%barrier3A)
    %min3A = arith.constant 0 : i32
    %min3A_3 = arith.constant 78 : i32
    %min3A_4 = arith.minsi %min3A, %min3A_3 : i32
    %mul3A_5 = arith.constant 79 : i32
    %mul3A_6 = arith.muli %add3A, %mul3A_5 : i32
    %add3A_7 = arith.addi %mul3A_6, %min3A_4 : i32
    %mul3A_8 = arith.constant 256 : i32
    %mul3A_9 = arith.muli %add3A_7, %mul3A_8 : i32
    %rem3A = arith.constant 0 : i32
    %rem3A_10 = arith.constant 2 : i32
    %rem3A_11 = arith.remsi %rem3A, %rem3A_10 : i32
    %dma_start3A = arith.constant 0 : i32
    %dma_start3A_12 = tpu.memref_slice %arg6[%rem3A_11, %dma_start3A] : memref<2x256xi32, #tpu.memory_space<vmem>> -> memref<1x256xi32, #tpu.memory_space<vmem>>
    %dma_start3A_13 = tpu.memref_squeeze %dma_start3A_12 : memref<1x256xi32, #tpu.memory_space<vmem>> -> memref<256xi32, #tpu.memory_space<vmem>>
    %dma_start3A_14 = tpu.memref_slice %arg3[%mul3A_9] : memref<647168xi32, #tpu.memory_space<hbm>> -> memref<256xi32, #tpu.memory_space<hbm>>
    %dma_start3A_15 = tpu.memref_slice %arg10[%rem3A_11] : memref<2x!tpu.dma_semaphore, #tpu.memory_space<semaphore_mem>> -> memref<1x!tpu.dma_semaphore, #tpu.memory_space<semaphore_mem>>
    %dma_start3A_16 = tpu.memref_squeeze %dma_start3A_15 : memref<1x!tpu.dma_semaphore, #tpu.memory_space<semaphore_mem>> -> memref<!tpu.dma_semaphore, #tpu.memory_space<semaphore_mem>>
    %dma_start3A_17 = arith.constant 0 : i32
    %dma_start3A_18 = tpu.memref_slice %arg6[%rem3A_11, %dma_start3A_17] : memref<2x256xi32, #tpu.memory_space<vmem>> -> memref<1x256xi32, #tpu.memory_space<vmem>>
    %dma_start3A_19 = tpu.memref_squeeze %dma_start3A_18 : memref<1x256xi32, #tpu.memory_space<vmem>> -> memref<256xi32, #tpu.memory_space<vmem>>
    %dma_start3A_20 = tpu.memref_slice %arg3[%mul3A_9] : memref<647168xi32, #tpu.memory_space<hbm>> -> memref<256xi32, #tpu.memory_space<hbm>>
    tpu.enqueue_dma source(%dma_start3A_20 : memref<256xi32, #tpu.memory_space<hbm>>) target(%dma_start3A_19 : memref<256xi32, #tpu.memory_space<vmem>>) target_semaphore(%dma_start3A_16 : memref<!tpu.dma_semaphore, #tpu.memory_space<semaphore_mem>>)
    %rem3A_21 = arith.constant 0 : i32
    %rem3A_22 = arith.constant 2 : i32
    %rem3A_23 = arith.remsi %rem3A_21, %rem3A_22 : i32
    %dma_wait3A = arith.constant 0 : i32
    %dma_wait3A_24 = tpu.memref_slice %arg6[%rem3A_23, %dma_wait3A] : memref<2x256xi32, #tpu.memory_space<vmem>> -> memref<1x256xi32, #tpu.memory_space<vmem>>
    %dma_wait3A_25 = tpu.memref_squeeze %dma_wait3A_24 : memref<1x256xi32, #tpu.memory_space<vmem>> -> memref<256xi32, #tpu.memory_space<vmem>>
    %dma_wait3A_26 = arith.constant 0 : i32
    %dma_wait3A_27 = tpu.memref_slice %arg3[%dma_wait3A_26] : memref<647168xi32, #tpu.memory_space<hbm>> -> memref<256xi32, #tpu.memory_space<hbm>>
    %dma_wait3A_28 = tpu.memref_slice %arg10[%rem3A_23] : memref<2x!tpu.dma_semaphore, #tpu.memory_space<semaphore_mem>> -> memref<1x!tpu.dma_semaphore, #tpu.memory_space<semaphore_mem>>
    %dma_wait3A_29 = tpu.memref_squeeze %dma_wait3A_28 : memref<1x!tpu.dma_semaphore, #tpu.memory_space<semaphore_mem>> -> memref<!tpu.dma_semaphore, #tpu.memory_space<semaphore_mem>>
    %dma_wait3A_30 = arith.constant 0 : i32
    %dma_wait3A_31 = tpu.memref_slice %arg6[%rem3A_23, %dma_wait3A_30] : memref<2x256xi32, #tpu.memory_space<vmem>> -> memref<1x256xi32, #tpu.memory_space<vmem>>
    %dma_wait3A_32 = tpu.memref_squeeze %dma_wait3A_31 : memref<1x256xi32, #tpu.memory_space<vmem>> -> memref<256xi32, #tpu.memory_space<vmem>>
    %dma_wait3A_33 = arith.constant 0 : i32
    %dma_wait3A_34 = tpu.memref_slice %arg3[%dma_wait3A_33] : memref<647168xi32, #tpu.memory_space<hbm>> -> memref<256xi32, #tpu.memory_space<hbm>>
    tpu.wait_dma2 semaphore(%dma_wait3A_29 : memref<!tpu.dma_semaphore, #tpu.memory_space<semaphore_mem>>) src(%dma_wait3A_34 : memref<256xi32, #tpu.memory_space<hbm>>) dst(%dma_wait3A_32 : memref<256xi32, #tpu.memory_space<vmem>>)
    %rem3A_35 = arith.constant 0 : i32
    %rem3A_36 = arith.constant 2 : i32
    %rem3A_37 = arith.remsi %rem3A_35, %rem3A_36 : i32
    %dma_start3A_38 = arith.constant 0 : i32
    %dma_start3A_39 = arith.constant 0 : i32
    %dma_start3A_40 = tpu.memref_slice %arg8[%rem3A_37, %dma_start3A_38, %dma_start3A_39] : memref<2x128x128xf32, #tpu.memory_space<vmem>> -> memref<1x128x128xf32, #tpu.memory_space<vmem>>
    %dma_start3A_41 = tpu.memref_squeeze %dma_start3A_40 : memref<1x128x128xf32, #tpu.memory_space<vmem>> -> memref<128x128xf32, #tpu.memory_space<vmem>>
    %dma_start3A_42 = arith.constant 0 : i32
    %dma_start3A_43 = tpu.memref_slice %arg6[%rem3A_37, %dma_start3A_42] : memref<2x256xi32, #tpu.memory_space<vmem>> -> memref<1x128xi32, #tpu.memory_space<vmem>>
    %dma_start3A_44 = tpu.memref_squeeze %dma_start3A_43 : memref<1x128xi32, #tpu.memory_space<vmem>> -> memref<128xi32, #tpu.memory_space<vmem>>
    %dma_start3A_45 = arith.constant 0 : i32
    %dma_start3A_46 = arith.constant 0 : i32
    %dma_start3A_47 = tpu.memref_slice %arg2[%dma_start3A_45, %dma_start3A_46] : memref<10000x128xf32, #tpu.memory_space<hbm>> -> memref<10000x128xf32, #tpu.memory_space<hbm>>
    %dma_start3A_48 = tpu.memref_slice %arg11[%rem3A_37] : memref<2x!tpu.dma_semaphore, #tpu.memory_space<semaphore_mem>> -> memref<1x!tpu.dma_semaphore, #tpu.memory_space<semaphore_mem>>
    %dma_start3A_49 = tpu.memref_squeeze %dma_start3A_48 : memref<1x!tpu.dma_semaphore, #tpu.memory_space<semaphore_mem>> -> memref<!tpu.dma_semaphore, #tpu.memory_space<semaphore_mem>>
    tpu.enqueue_indirect_dma source(%dma_start3A_47 : memref<10000x128xf32, #tpu.memory_space<hbm>>) target(%dma_start3A_41 : memref<128x128xf32, #tpu.memory_space<vmem>>) offsets(%dma_start3A_44 : memref<128xi32, #tpu.memory_space<vmem>>) semaphore(%dma_start3A_49 : memref<!tpu.dma_semaphore, #tpu.memory_space<semaphore_mem>>)
    %min3A_50 = arith.constant 1 : i32
    %min3A_51 = arith.constant 78 : i32
    %min3A_52 = arith.minsi %min3A_50, %min3A_51 : i32
    %mul3A_53 = arith.constant 79 : i32
    %mul3A_54 = arith.muli %add3A, %mul3A_53 : i32
    %add3A_55 = arith.addi %mul3A_54, %min3A_52 : i32
    %mul3A_56 = arith.constant 256 : i32
    %mul3A_57 = arith.muli %add3A_55, %mul3A_56 : i32
    %rem3A_58 = arith.constant 1 : i32
    %rem3A_59 = arith.constant 2 : i32
    %rem3A_60 = arith.remsi %rem3A_58, %rem3A_59 : i32
    %dma_start3A_61 = arith.constant 0 : i32
    %dma_start3A_62 = tpu.memref_slice %arg6[%rem3A_60, %dma_start3A_61] : memref<2x256xi32, #tpu.memory_space<vmem>> -> memref<1x256xi32, #tpu.memory_space<vmem>>
    %dma_start3A_63 = tpu.memref_squeeze %dma_start3A_62 : memref<1x256xi32, #tpu.memory_space<vmem>> -> memref<256xi32, #tpu.memory_space<vmem>>
    %dma_start3A_64 = tpu.memref_slice %arg3[%mul3A_57] : memref<647168xi32, #tpu.memory_space<hbm>> -> memref<256xi32, #tpu.memory_space<hbm>>
    %dma_start3A_65 = tpu.memref_slice %arg10[%rem3A_60] : memref<2x!tpu.dma_semaphore, #tpu.memory_space<semaphore_mem>> -> memref<1x!tpu.dma_semaphore, #tpu.memory_space<semaphore_mem>>
    %dma_start3A_66 = tpu.memref_squeeze %dma_start3A_65 : memref<1x!tpu.dma_semaphore, #tpu.memory_space<semaphore_mem>> -> memref<!tpu.dma_semaphore, #tpu.memory_space<semaphore_mem>>
    %dma_start3A_67 = arith.constant 0 : i32
    %dma_start3A_68 = tpu.memref_slice %arg6[%rem3A_60, %dma_start3A_67] : memref<2x256xi32, #tpu.memory_space<vmem>> -> memref<1x256xi32, #tpu.memory_space<vmem>>
    %dma_start3A_69 = tpu.memref_squeeze %dma_start3A_68 : memref<1x256xi32, #tpu.memory_space<vmem>> -> memref<256xi32, #tpu.memory_space<vmem>>
    %dma_start3A_70 = tpu.memref_slice %arg3[%mul3A_57] : memref<647168xi32, #tpu.memory_space<hbm>> -> memref<256xi32, #tpu.memory_space<hbm>>
    tpu.enqueue_dma source(%dma_start3A_70 : memref<256xi32, #tpu.memory_space<hbm>>) target(%dma_start3A_69 : memref<256xi32, #tpu.memory_space<vmem>>) target_semaphore(%dma_start3A_66 : memref<!tpu.dma_semaphore, #tpu.memory_space<semaphore_mem>>)
    %scan3A = arith.constant 0 : i32
    %scan3A_71 = arith.constant 0 : i32
    %scan3A_72 = arith.constant 79 : i32
    %scan3A_73 = arith.addi %scan3A_71, %scan3A_72 : i32
    %scan3A_74 = arith.constant 1 : i32
    scf.for %scan3A_107 = %scan3A_71 to %scan3A_73 step %scan3A_74  : i32 {
      %rem3A_108 = arith.constant 2 : i32
      %rem3A_109 = arith.remsi %scan3A_107, %rem3A_108 : i32
      %add3A_110 = arith.constant 1 : i32
      %add3A_111 = arith.addi %scan3A_107, %add3A_110 : i32
      %rem3A_112 = arith.constant 2 : i32
      %rem3A_113 = arith.remsi %add3A_111, %rem3A_112 : i32
      %dma_wait3A_114 = arith.constant 0 : i32
      %dma_wait3A_115 = tpu.memref_slice %arg6[%rem3A_113, %dma_wait3A_114] : memref<2x256xi32, #tpu.memory_space<vmem>> -> memref<1x256xi32, #tpu.memory_space<vmem>>
      %dma_wait3A_116 = tpu.memref_squeeze %dma_wait3A_115 : memref<1x256xi32, #tpu.memory_space<vmem>> -> memref<256xi32, #tpu.memory_space<vmem>>
      %dma_wait3A_117 = arith.constant 0 : i32
      %dma_wait3A_118 = tpu.memref_slice %arg3[%dma_wait3A_117] : memref<647168xi32, #tpu.memory_space<hbm>> -> memref<256xi32, #tpu.memory_space<hbm>>
      %dma_wait3A_119 = tpu.memref_slice %arg10[%rem3A_113] : memref<2x!tpu.dma_semaphore, #tpu.memory_space<semaphore_mem>> -> memref<1x!tpu.dma_semaphore, #tpu.memory_space<semaphore_mem>>
      %dma_wait3A_120 = tpu.memref_squeeze %dma_wait3A_119 : memref<1x!tpu.dma_semaphore, #tpu.memory_space<semaphore_mem>> -> memref<!tpu.dma_semaphore, #tpu.memory_space<semaphore_mem>>
      %dma_wait3A_121 = arith.constant 0 : i32
      %dma_wait3A_122 = tpu.memref_slice %arg6[%rem3A_113, %dma_wait3A_121] : memref<2x256xi32, #tpu.memory_space<vmem>> -> memref<1x256xi32, #tpu.memory_space<vmem>>
      %dma_wait3A_123 = tpu.memref_squeeze %dma_wait3A_122 : memref<1x256xi32, #tpu.memory_space<vmem>> -> memref<256xi32, #tpu.memory_space<vmem>>
      %dma_wait3A_124 = arith.constant 0 : i32
      %dma_wait3A_125 = tpu.memref_slice %arg3[%dma_wait3A_124] : memref<647168xi32, #tpu.memory_space<hbm>> -> memref<256xi32, #tpu.memory_space<hbm>>
      tpu.wait_dma2 semaphore(%dma_wait3A_120 : memref<!tpu.dma_semaphore, #tpu.memory_space<semaphore_mem>>) src(%dma_wait3A_125 : memref<256xi32, #tpu.memory_space<hbm>>) dst(%dma_wait3A_123 : memref<256xi32, #tpu.memory_space<vmem>>)
      %add3A_126 = arith.constant 1 : i32
      %add3A_127 = arith.addi %scan3A_107, %add3A_126 : i32
      %rem3A_128 = arith.constant 2 : i32
      %rem3A_129 = arith.remsi %add3A_127, %rem3A_128 : i32
      %dma_start3A_130 = arith.constant 0 : i32
      %dma_start3A_131 = arith.constant 0 : i32
      %dma_start3A_132 = tpu.memref_slice %arg8[%rem3A_129, %dma_start3A_130, %dma_start3A_131] : memref<2x128x128xf32, #tpu.memory_space<vmem>> -> memref<1x128x128xf32, #tpu.memory_space<vmem>>
      %dma_start3A_133 = tpu.memref_squeeze %dma_start3A_132 : memref<1x128x128xf32, #tpu.memory_space<vmem>> -> memref<128x128xf32, #tpu.memory_space<vmem>>
      %dma_start3A_134 = arith.constant 0 : i32
      %dma_start3A_135 = tpu.memref_slice %arg6[%rem3A_129, %dma_start3A_134] : memref<2x256xi32, #tpu.memory_space<vmem>> -> memref<1x128xi32, #tpu.memory_space<vmem>>
      %dma_start3A_136 = tpu.memref_squeeze %dma_start3A_135 : memref<1x128xi32, #tpu.memory_space<vmem>> -> memref<128xi32, #tpu.memory_space<vmem>>
      %dma_start3A_137 = arith.constant 0 : i32
      %dma_start3A_138 = arith.constant 0 : i32
      %dma_start3A_139 = tpu.memref_slice %arg2[%dma_start3A_137, %dma_start3A_138] : memref<10000x128xf32, #tpu.memory_space<hbm>> -> memref<10000x128xf32, #tpu.memory_space<hbm>>
      %dma_start3A_140 = tpu.memref_slice %arg11[%rem3A_129] : memref<2x!tpu.dma_semaphore, #tpu.memory_space<semaphore_mem>> -> memref<1x!tpu.dma_semaphore, #tpu.memory_space<semaphore_mem>>
      %dma_start3A_141 = tpu.memref_squeeze %dma_start3A_140 : memref<1x!tpu.dma_semaphore, #tpu.memory_space<semaphore_mem>> -> memref<!tpu.dma_semaphore, #tpu.memory_space<semaphore_mem>>
      tpu.enqueue_indirect_dma source(%dma_start3A_139 : memref<10000x128xf32, #tpu.memory_space<hbm>>) target(%dma_start3A_133 : memref<128x128xf32, #tpu.memory_space<vmem>>) offsets(%dma_start3A_136 : memref<128xi32, #tpu.memory_space<vmem>>) semaphore(%dma_start3A_141 : memref<!tpu.dma_semaphore, #tpu.memory_space<semaphore_mem>>)
      %get3A = arith.index_cast %rem3A_109 : i32 to index
      %get3A_142 = arith.constant 128 : index
      %get3A_143 = tpu.vector_load %arg6[%get3A, %get3A_142] {strides = array<i32>} : memref<2x256xi32, #tpu.memory_space<vmem>>, vector<1x16xi32>,
      %get3A_144 = vector.shape_cast %get3A_143 : vector<1x16xi32> to vector<16xi32>
      %swap3A = arith.constant 0 : index
      %swap3A_145 = tpu.vector_load %arg7[%swap3A] {strides = array<i32>} : memref<128xi32, #tpu.memory_space<vmem>>, vector<16xi32>,
      %swap3A_146 = vector.shape_cast %swap3A_145 : vector<16xi32> to vector<16xi32>
      %swap3A_147 = vector.shape_cast %get3A_144 : vector<16xi32> to vector<16xi32>
      tpu.vector_store %arg7[%swap3A], %swap3A_147 {strides = array<i32>} : memref<128xi32, #tpu.memory_space<vmem>>, vector<16xi32>,
      %get3A_148 = arith.index_cast %rem3A_109 : i32 to index
      %get3A_149 = arith.constant 144 : index
      %get3A_150 = tpu.vector_load %arg6[%get3A_148, %get3A_149] {strides = array<i32>} : memref<2x256xi32, #tpu.memory_space<vmem>>, vector<1x16xi32>,
      %get3A_151 = vector.shape_cast %get3A_150 : vector<1x16xi32> to vector<16xi32>
      %swap3A_152 = arith.constant 16 : index
      %swap3A_153 = tpu.vector_load %arg7[%swap3A_152] {strides = array<i32>} : memref<128xi32, #tpu.memory_space<vmem>>, vector<16xi32>,
      %swap3A_154 = vector.shape_cast %swap3A_153 : vector<16xi32> to vector<16xi32>
      %swap3A_155 = vector.shape_cast %get3A_151 : vector<16xi32> to vector<16xi32>
      tpu.vector_store %arg7[%swap3A_152], %swap3A_155 {strides = array<i32>} : memref<128xi32, #tpu.memory_space<vmem>>, vector<16xi32>,
      %get3A_156 = arith.index_cast %rem3A_109 : i32 to index
      %get3A_157 = arith.constant 160 : index
      %get3A_158 = tpu.vector_load %arg6[%get3A_156, %get3A_157] {strides = array<i32>} : memref<2x256xi32, #tpu.memory_space<vmem>>, vector<1x16xi32>,
      %get3A_159 = vector.shape_cast %get3A_158 : vector<1x16xi32> to vector<16xi32>
      %swap3A_160 = arith.constant 32 : index
      %swap3A_161 = tpu.vector_load %arg7[%swap3A_160] {strides = array<i32>} : memref<128xi32, #tpu.memory_space<vmem>>, vector<16xi32>,
      %swap3A_162 = vector.shape_cast %swap3A_161 : vector<16xi32> to vector<16xi32>
      %swap3A_163 = vector.shape_cast %get3A_159 : vector<16xi32> to vector<16xi32>
      tpu.vector_store %arg7[%swap3A_160], %swap3A_163 {strides = array<i32>} : memref<128xi32, #tpu.memory_space<vmem>>, vector<16xi32>,
      %get3A_164 = arith.index_cast %rem3A_109 : i32 to index
      %get3A_165 = arith.constant 176 : index
      %get3A_166 = tpu.vector_load %arg6[%get3A_164, %get3A_165] {strides = array<i32>} : memref<2x256xi32, #tpu.memory_space<vmem>>, vector<1x16xi32>,
      %get3A_167 = vector.shape_cast %get3A_166 : vector<1x16xi32> to vector<16xi32>
      %swap3A_168 = arith.constant 48 : index
      %swap3A_169 = tpu.vector_load %arg7[%swap3A_168] {strides = array<i32>} : memref<128xi32, #tpu.memory_space<vmem>>, vector<16xi32>,
      %swap3A_170 = vector.shape_cast %swap3A_169 : vector<16xi32> to vector<16xi32>
      %swap3A_171 = vector.shape_cast %get3A_167 : vector<16xi32> to vector<16xi32>
      tpu.vector_store %arg7[%swap3A_168], %swap3A_171 {strides = array<i32>} : memref<128xi32, #tpu.memory_space<vmem>>, vector<16xi32>,
      %get3A_172 = arith.index_cast %rem3A_109 : i32 to index
      %get3A_173 = arith.constant 192 : index
      %get3A_174 = tpu.vector_load %arg6[%get3A_172, %get3A_173] {strides = array<i32>} : memref<2x256xi32, #tpu.memory_space<vmem>>, vector<1x16xi32>,
      %get3A_175 = vector.shape_cast %get3A_174 : vector<1x16xi32> to vector<16xi32>
      %swap3A_176 = arith.constant 64 : index
      %swap3A_177 = tpu.vector_load %arg7[%swap3A_176] {strides = array<i32>} : memref<128xi32, #tpu.memory_space<vmem>>, vector<16xi32>,
      %swap3A_178 = vector.shape_cast %swap3A_177 : vector<16xi32> to vector<16xi32>
      %swap3A_179 = vector.shape_cast %get3A_175 : vector<16xi32> to vector<16xi32>
      tpu.vector_store %arg7[%swap3A_176], %swap3A_179 {strides = array<i32>} : memref<128xi32, #tpu.memory_space<vmem>>, vector<16xi32>,
      %get3A_180 = arith.index_cast %rem3A_109 : i32 to index
      %get3A_181 = arith.constant 208 : index
      %get3A_182 = tpu.vector_load %arg6[%get3A_180, %get3A_181] {strides = array<i32>} : memref<2x256xi32, #tpu.memory_space<vmem>>, vector<1x16xi32>,
      %get3A_183 = vector.shape_cast %get3A_182 : vector<1x16xi32> to vector<16xi32>
      %swap3A_184 = arith.constant 80 : index
      %swap3A_185 = tpu.vector_load %arg7[%swap3A_184] {strides = array<i32>} : memref<128xi32, #tpu.memory_space<vmem>>, vector<16xi32>,
      %swap3A_186 = vector.shape_cast %swap3A_185 : vector<16xi32> to vector<16xi32>
      %swap3A_187 = vector.shape_cast %get3A_183 : vector<16xi32> to vector<16xi32>
      tpu.vector_store %arg7[%swap3A_184], %swap3A_187 {strides = array<i32>} : memref<128xi32, #tpu.memory_space<vmem>>, vector<16xi32>,
      %get3A_188 = arith.index_cast %rem3A_109 : i32 to index
      %get3A_189 = arith.constant 224 : index
      %get3A_190 = tpu.vector_load %arg6[%get3A_188, %get3A_189] {strides = array<i32>} : memref<2x256xi32, #tpu.memory_space<vmem>>, vector<1x16xi32>,
      %get3A_191 = vector.shape_cast %get3A_190 : vector<1x16xi32> to vector<16xi32>
      %swap3A_192 = arith.constant 96 : index
      %swap3A_193 = tpu.vector_load %arg7[%swap3A_192] {strides = array<i32>} : memref<128xi32, #tpu.memory_space<vmem>>, vector<16xi32>,
      %swap3A_194 = vector.shape_cast %swap3A_193 : vector<16xi32> to vector<16xi32>
      %swap3A_195 = vector.shape_cast %get3A_191 : vector<16xi32> to vector<16xi32>
      tpu.vector_store %arg7[%swap3A_192], %swap3A_195 {strides = array<i32>} : memref<128xi32, #tpu.memory_space<vmem>>, vector<16xi32>,
      %get3A_196 = arith.index_cast %rem3A_109 : i32 to index
      %get3A_197 = arith.constant 240 : index
      %get3A_198 = tpu.vector_load %arg6[%get3A_196, %get3A_197] {strides = array<i32>} : memref<2x256xi32, #tpu.memory_space<vmem>>, vector<1x16xi32>,
      %get3A_199 = vector.shape_cast %get3A_198 : vector<1x16xi32> to vector<16xi32>
      %swap3A_200 = arith.constant 112 : index
      %swap3A_201 = tpu.vector_load %arg7[%swap3A_200] {strides = array<i32>} : memref<128xi32, #tpu.memory_space<vmem>>, vector<16xi32>,
      %swap3A_202 = vector.shape_cast %swap3A_201 : vector<16xi32> to vector<16xi32>
      %swap3A_203 = vector.shape_cast %get3A_199 : vector<16xi32> to vector<16xi32>
      tpu.vector_store %arg7[%swap3A_200], %swap3A_203 {strides = array<i32>} : memref<128xi32, #tpu.memory_space<vmem>>, vector<16xi32>,
      %rem3A_204 = arith.constant 2 : i32
      %rem3A_205 = arith.remsi %scan3A_107, %rem3A_204 : i32
      %dma_wait3A_206 = arith.constant 0 : i32
      %dma_wait3A_207 = arith.constant 0 : i32
      %dma_wait3A_208 = tpu.memref_slice %arg8[%rem3A_205, %dma_wait3A_206, %dma_wait3A_207] : memref<2x128x128xf32, #tpu.memory_space<vmem>> -> memref<1x128x128xf32, #tpu.memory_space<vmem>>
      %dma_wait3A_209 = tpu.memref_squeeze %dma_wait3A_208 : memref<1x128x128xf32, #tpu.memory_space<vmem>> -> memref<128x128xf32, #tpu.memory_space<vmem>>
      %dma_wait3A_210 = arith.constant 0 : i32
      %dma_wait3A_211 = tpu.memref_slice %arg6[%rem3A_205, %dma_wait3A_210] : memref<2x256xi32, #tpu.memory_space<vmem>> -> memref<1x128xi32, #tpu.memory_space<vmem>>
      %dma_wait3A_212 = tpu.memref_squeeze %dma_wait3A_211 : memref<1x128xi32, #tpu.memory_space<vmem>> -> memref<128xi32, #tpu.memory_space<vmem>>
      %dma_wait3A_213 = arith.constant 0 : i32
      %dma_wait3A_214 = arith.constant 0 : i32
      %dma_wait3A_215 = tpu.memref_slice %arg2[%dma_wait3A_213, %dma_wait3A_214] : memref<10000x128xf32, #tpu.memory_space<hbm>> -> memref<10000x128xf32, #tpu.memory_space<hbm>>
      %dma_wait3A_216 = tpu.memref_slice %arg11[%rem3A_205] : memref<2x!tpu.dma_semaphore, #tpu.memory_space<semaphore_mem>> -> memref<1x!tpu.dma_semaphore, #tpu.memory_space<semaphore_mem>>
      %dma_wait3A_217 = tpu.memref_squeeze %dma_wait3A_216 : memref<1x!tpu.dma_semaphore, #tpu.memory_space<semaphore_mem>> -> memref<!tpu.dma_semaphore, #tpu.memory_space<semaphore_mem>>
      tpu.wait_indirect_dma semaphore(%dma_wait3A_217 : memref<!tpu.dma_semaphore, #tpu.memory_space<semaphore_mem>>) src(%dma_wait3A_215 : memref<10000x128xf32, #tpu.memory_space<hbm>>) dst(%dma_wait3A_209 : memref<128x128xf32, #tpu.memory_space<vmem>>)
      "tpu.region"() ({
        %run_scoped3A = tpu.sem_alloc : memref<!tpu.dma_semaphore, #tpu.memory_space<semaphore_mem>>
        %dma_start3A_239 = arith.constant 0 : i32
        %dma_start3A_240 = arith.constant 0 : i32
        %dma_start3A_241 = tpu.memref_slice %arg8[%rem3A_109, %dma_start3A_239, %dma_start3A_240] : memref<2x128x128xf32, #tpu.memory_space<vmem>> -> memref<1x128x128xf32, #tpu.memory_space<vmem>>
        %dma_start3A_242 = tpu.memref_squeeze %dma_start3A_241 : memref<1x128x128xf32, #tpu.memory_space<vmem>> -> memref<128x128xf32, #tpu.memory_space<vmem>>
        %dma_start3A_243 = arith.constant 0 : i32
        %dma_start3A_244 = arith.constant 0 : i32
        %dma_start3A_245 = tpu.memref_slice %arg9[%dma_start3A_243, %dma_start3A_244] : memref<10112x128xf32, #tpu.memory_space<vmem_shared>> -> memref<10112x128xf32, #tpu.memory_space<vmem_shared>>
        tpu.enqueue_indirect_dma source(%dma_start3A_242 : memref<128x128xf32, #tpu.memory_space<vmem>>) target(%dma_start3A_245 : memref<10112x128xf32, #tpu.memory_space<vmem_shared>>) offsets(%arg7 : memref<128xi32, #tpu.memory_space<vmem>>) semaphore(%run_scoped3A : memref<!tpu.dma_semaphore, #tpu.memory_space<semaphore_mem>>) {add = true}
        %dma_wait3A_246 = arith.constant 0 : i32
        %dma_wait3A_247 = arith.constant 0 : i32
        %dma_wait3A_248 = tpu.memref_slice %arg8[%rem3A_109, %dma_wait3A_246, %dma_wait3A_247] : memref<2x128x128xf32, #tpu.memory_space<vmem>> -> memref<1x128x128xf32, #tpu.memory_space<vmem>>
        %dma_wait3A_249 = tpu.memref_squeeze %dma_wait3A_248 : memref<1x128x128xf32, #tpu.memory_space<vmem>> -> memref<128x128xf32, #tpu.memory_space<vmem>>
        %dma_wait3A_250 = arith.constant 0 : i32
        %dma_wait3A_251 = arith.constant 0 : i32
        %dma_wait3A_252 = tpu.memref_slice %arg9[%dma_wait3A_250, %dma_wait3A_251] : memref<10112x128xf32, #tpu.memory_space<vmem_shared>> -> memref<10112x128xf32, #tpu.memory_space<vmem_shared>>
        tpu.wait_indirect_dma semaphore(%run_scoped3A : memref<!tpu.dma_semaphore, #tpu.memory_space<semaphore_mem>>) src(%dma_wait3A_249 : memref<128x128xf32, #tpu.memory_space<vmem>>) dst(%dma_wait3A_252 : memref<10112x128xf32, #tpu.memory_space<vmem_shared>>)
        tpu.yield
      }) : () -> ()
      %add3A_218 = arith.constant 2 : i32
      %add3A_219 = arith.addi %scan3A_107, %add3A_218 : i32
      %min3A_220 = arith.constant 78 : i32
      %min3A_221 = arith.minsi %add3A_219, %min3A_220 : i32
      %mul3A_222 = arith.constant 79 : i32
      %mul3A_223 = arith.muli %add3A, %mul3A_222 : i32
      %add3A_224 = arith.addi %mul3A_223, %min3A_221 : i32
      %mul3A_225 = arith.constant 256 : i32
      %mul3A_226 = arith.muli %add3A_224, %mul3A_225 : i32
      %rem3A_227 = arith.constant 2 : i32
      %rem3A_228 = arith.remsi %add3A_219, %rem3A_227 : i32
      %dma_start3A_229 = arith.constant 0 : i32
      %dma_start3A_230 = tpu.memref_slice %arg6[%rem3A_228, %dma_start3A_229] : memref<2x256xi32, #tpu.memory_space<vmem>> -> memref<1x256xi32, #tpu.memory_space<vmem>>
      %dma_start3A_231 = tpu.memref_squeeze %dma_start3A_230 : memref<1x256xi32, #tpu.memory_space<vmem>> -> memref<256xi32, #tpu.memory_space<vmem>>
      %dma_start3A_232 = tpu.memref_slice %arg3[%mul3A_226] : memref<647168xi32, #tpu.memory_space<hbm>> -> memref<256xi32, #tpu.memory_space<hbm>>
      %dma_start3A_233 = tpu.memref_slice %arg10[%rem3A_228] : memref<2x!tpu.dma_semaphore, #tpu.memory_space<semaphore_mem>> -> memref<1x!tpu.dma_semaphore, #tpu.memory_space<semaphore_mem>>
      %dma_start3A_234 = tpu.memref_squeeze %dma_start3A_233 : memref<1x!tpu.dma_semaphore, #tpu.memory_space<semaphore_mem>> -> memref<!tpu.dma_semaphore, #tpu.memory_space<semaphore_mem>>
      %dma_start3A_235 = arith.constant 0 : i32
      %dma_start3A_236 = tpu.memref_slice %arg6[%rem3A_228, %dma_start3A_235] : memref<2x256xi32, #tpu.memory_space<vmem>> -> memref<1x256xi32, #tpu.memory_space<vmem>>
      %dma_start3A_237 = tpu.memref_squeeze %dma_start3A_236 : memref<1x256xi32, #tpu.memory_space<vmem>> -> memref<256xi32, #tpu.memory_space<vmem>>
      %dma_start3A_238 = tpu.memref_slice %arg3[%mul3A_226] : memref<647168xi32, #tpu.memory_space<hbm>> -> memref<256xi32, #tpu.memory_space<hbm>>
      tpu.enqueue_dma source(%dma_start3A_238 : memref<256xi32, #tpu.memory_space<hbm>>) target(%dma_start3A_237 : memref<256xi32, #tpu.memory_space<vmem>>) target_semaphore(%dma_start3A_234 : memref<!tpu.dma_semaphore, #tpu.memory_space<semaphore_mem>>)
    }
    %scan3A_75 = arith.constant 79 : i32
    %rem3A_76 = arith.constant 80 : i32
    %rem3A_77 = arith.constant 2 : i32
    %rem3A_78 = arith.remsi %rem3A_76, %rem3A_77 : i32
    %dma_wait3A_79 = arith.constant 0 : i32
    %dma_wait3A_80 = tpu.memref_slice %arg6[%rem3A_78, %dma_wait3A_79] : memref<2x256xi32, #tpu.memory_space<vmem>> -> memref<1x256xi32, #tpu.memory_space<vmem>>
    %dma_wait3A_81 = tpu.memref_squeeze %dma_wait3A_80 : memref<1x256xi32, #tpu.memory_space<vmem>> -> memref<256xi32, #tpu.memory_space<vmem>>
    %dma_wait3A_82 = arith.constant 0 : i32
    %dma_wait3A_83 = tpu.memref_slice %arg3[%dma_wait3A_82] : memref<647168xi32, #tpu.memory_space<hbm>> -> memref<256xi32, #tpu.memory_space<hbm>>
    %dma_wait3A_84 = tpu.memref_slice %arg10[%rem3A_78] : memref<2x!tpu.dma_semaphore, #tpu.memory_space<semaphore_mem>> -> memref<1x!tpu.dma_semaphore, #tpu.memory_space<semaphore_mem>>
    %dma_wait3A_85 = tpu.memref_squeeze %dma_wait3A_84 : memref<1x!tpu.dma_semaphore, #tpu.memory_space<semaphore_mem>> -> memref<!tpu.dma_semaphore, #tpu.memory_space<semaphore_mem>>
    %dma_wait3A_86 = arith.constant 0 : i32
    %dma_wait3A_87 = tpu.memref_slice %arg6[%rem3A_78, %dma_wait3A_86] : memref<2x256xi32, #tpu.memory_space<vmem>> -> memref<1x256xi32, #tpu.memory_space<vmem>>
    %dma_wait3A_88 = tpu.memref_squeeze %dma_wait3A_87 : memref<1x256xi32, #tpu.memory_space<vmem>> -> memref<256xi32, #tpu.memory_space<vmem>>
    %dma_wait3A_89 = arith.constant 0 : i32
    %dma_wait3A_90 = tpu.memref_slice %arg3[%dma_wait3A_89] : memref<647168xi32, #tpu.memory_space<hbm>> -> memref<256xi32, #tpu.memory_space<hbm>>
    tpu.wait_dma2 semaphore(%dma_wait3A_85 : memref<!tpu.dma_semaphore, #tpu.memory_space<semaphore_mem>>) src(%dma_wait3A_90 : memref<256xi32, #tpu.memory_space<hbm>>) dst(%dma_wait3A_88 : memref<256xi32, #tpu.memory_space<vmem>>)
    %rem3A_91 = arith.constant 79 : i32
    %rem3A_92 = arith.constant 2 : i32
    %rem3A_93 = arith.remsi %rem3A_91, %rem3A_92 : i32
    %dma_wait3A_94 = arith.constant 0 : i32
    %dma_wait3A_95 = arith.constant 0 : i32
    %dma_wait3A_96 = tpu.memref_slice %arg8[%rem3A_93, %dma_wait3A_94, %dma_wait3A_95] : memref<2x128x128xf32, #tpu.memory_space<vmem>> -> memref<1x128x128xf32, #tpu.memory_space<vmem>>
    %dma_wait3A_97 = tpu.memref_squeeze %dma_wait3A_96 : memref<1x128x128xf32, #tpu.memory_space<vmem>> -> memref<128x128xf32, #tpu.memory_space<vmem>>
    %dma_wait3A_98 = arith.constant 0 : i32
    %dma_wait3A_99 = tpu.memref_slice %arg6[%rem3A_93, %dma_wait3A_98] : memref<2x256xi32, #tpu.memory_space<vmem>> -> memref<1x128xi32, #tpu.memory_space<vmem>>
    %dma_wait3A_100 = tpu.memref_squeeze %dma_wait3A_99 : memref<1x128xi32, #tpu.memory_space<vmem>> -> memref<128xi32, #tpu.memory_space<vmem>>
    %dma_wait3A_101 = arith.constant 0 : i32
    %dma_wait3A_102 = arith.constant 0 : i32
    %dma_wait3A_103 = tpu.memref_slice %arg2[%dma_wait3A_101, %dma_wait3A_102] : memref<10000x128xf32, #tpu.memory_space<hbm>> -> memref<10000x128xf32, #tpu.memory_space<hbm>>
    %dma_wait3A_104 = tpu.memref_slice %arg11[%rem3A_93] : memref<2x!tpu.dma_semaphore, #tpu.memory_space<semaphore_mem>> -> memref<1x!tpu.dma_semaphore, #tpu.memory_space<semaphore_mem>>
    %dma_wait3A_105 = tpu.memref_squeeze %dma_wait3A_104 : memref<1x!tpu.dma_semaphore, #tpu.memory_space<semaphore_mem>> -> memref<!tpu.dma_semaphore, #tpu.memory_space<semaphore_mem>>
    tpu.wait_indirect_dma semaphore(%dma_wait3A_105 : memref<!tpu.dma_semaphore, #tpu.memory_space<semaphore_mem>>) src(%dma_wait3A_103 : memref<10000x128xf32, #tpu.memory_space<hbm>>) dst(%dma_wait3A_97 : memref<128x128xf32, #tpu.memory_space<vmem>>)
    %barrier3A_106 = arith.constant 0 : index
    tpu.barrier barrier_id(%barrier3A_106)
    "tpu.region"() ({
      %run_scoped3A = tpu.sem_alloc : memref<!tpu.dma_semaphore, #tpu.memory_space<semaphore_mem>>
      %dma_start3A_107 = arith.constant 0 : i32
      %dma_start3A_108 = tpu.memref_slice %arg5[%arg0, %mul3A_2, %dma_start3A_107] : memref<2x10112x128xf32, #tpu.memory_space<hbm>> -> memref<1x632x128xf32, #tpu.memory_space<hbm>>
      %dma_start3A_109 = tpu.memref_squeeze %dma_start3A_108 : memref<1x632x128xf32, #tpu.memory_space<hbm>> -> memref<632x128xf32, #tpu.memory_space<hbm>>
      %dma_start3A_110 = arith.constant 0 : i32
      %dma_start3A_111 = tpu.memref_slice %arg9[%mul3A_2, %dma_start3A_110] : memref<10112x128xf32, #tpu.memory_space<vmem_shared>> -> memref<632x128xf32, #tpu.memory_space<vmem_shared>>
      tpu.enqueue_dma source(%dma_start3A_111 : memref<632x128xf32, #tpu.memory_space<vmem_shared>>) target(%dma_start3A_109 : memref<632x128xf32, #tpu.memory_space<hbm>>) target_semaphore(%run_scoped3A : memref<!tpu.dma_semaphore, #tpu.memory_space<semaphore_mem>>)
      %dma_wait3A_112 = arith.constant 0 : i32
      %dma_wait3A_113 = tpu.memref_slice %arg5[%arg0, %mul3A_2, %dma_wait3A_112] : memref<2x10112x128xf32, #tpu.memory_space<hbm>> -> memref<1x632x128xf32, #tpu.memory_space<hbm>>
      %dma_wait3A_114 = tpu.memref_squeeze %dma_wait3A_113 : memref<1x632x128xf32, #tpu.memory_space<hbm>> -> memref<632x128xf32, #tpu.memory_space<hbm>>
      %dma_wait3A_115 = arith.constant 0 : i32
      %dma_wait3A_116 = tpu.memref_slice %arg9[%mul3A_2, %dma_wait3A_115] : memref<10112x128xf32, #tpu.memory_space<vmem_shared>> -> memref<632x128xf32, #tpu.memory_space<vmem_shared>>
      tpu.wait_dma2 semaphore(%run_scoped3A : memref<!tpu.dma_semaphore, #tpu.memory_space<semaphore_mem>>) src(%dma_wait3A_116 : memref<632x128xf32, #tpu.memory_space<vmem_shared>>) dst(%dma_wait3A_114 : memref<632x128xf32, #tpu.memory_space<hbm>>)
      tpu.yield
    }) : () -> ()
    return
  }
}

module attributes {stable_mosaic.version = 14 : i64} {
  func.func @_pre_body(%arg0: memref<10000x128xf32, #tpu.memory_space<vmem>>, %arg1: memref<128x128xf32, #tpu.memory_space<vmem>>, %arg2: memref<128x128xf32, #tpu.memory_space<vmem>>, %arg3: memref<1x128xf32, #tpu.memory_space<vmem>>, %arg4: memref<10000x128xf32, #tpu.memory_space<vmem>>, %arg5: memref<10000x128xf32, #tpu.memory_space<vmem>>) attributes {dimension_semantics = [], scalar_prefetch = 0 : i64, scratch_operands = 0 : i64, tpu.core_type = #tpu.core_type<tc>} {
    %get3A = arith.constant 0 : index
    %get3A_0 = arith.constant 0 : index
    %get3A_1 = vector.load %arg0[%get3A, %get3A_0] : memref<10000x128xf32, #tpu.memory_space<vmem>>, vector<10000x128xf32>
    %get3A_2 = arith.constant 0 : index
    %get3A_3 = arith.constant 0 : index
    %get3A_4 = vector.load %arg1[%get3A_2, %get3A_3] : memref<128x128xf32, #tpu.memory_space<vmem>>, vector<128x128xf32>
    %dot_general3A = arith.constant dense<0.000000e+00> : vector<10000x128xf32>
    %dot_general3A_5 = tpu.matmul %get3A_1, %get3A_4, %dot_general3A {dimension_numbers = #tpu.dot_dimension_numbers<[1], [1], [0], [0], [0, 0, 1, 0], [], []>, transpose_lhs_hint = false} : vector<10000x128xf32>, vector<128x128xf32>, vector<10000x128xf32> -> vector<10000x128xf32>
    %swap3A = arith.constant 0 : index
    %swap3A_6 = arith.constant 0 : index
    %swap3A_7 = vector.load %arg4[%swap3A, %swap3A_6] : memref<10000x128xf32, #tpu.memory_space<vmem>>, vector<10000x128xf32>
    tpu.vector_store %arg4[%swap3A, %swap3A_6], %dot_general3A_5 {strides = array<i32>} : memref<10000x128xf32, #tpu.memory_space<vmem>>, vector<10000x128xf32>,
    %get3A_8 = arith.constant 0 : index
    %get3A_9 = arith.constant 0 : index
    %get3A_10 = vector.load %arg2[%get3A_8, %get3A_9] : memref<128x128xf32, #tpu.memory_space<vmem>>, vector<128x128xf32>
    %dot_general3A_11 = arith.constant dense<0.000000e+00> : vector<10000x128xf32>
    %dot_general3A_12 = tpu.matmul %get3A_1, %get3A_10, %dot_general3A_11 {dimension_numbers = #tpu.dot_dimension_numbers<[1], [1], [0], [0], [0, 0, 1, 0], [], []>, transpose_lhs_hint = false} : vector<10000x128xf32>, vector<128x128xf32>, vector<10000x128xf32> -> vector<10000x128xf32>
    %get3A_13 = arith.constant 0 : index
    %get3A_14 = arith.constant 0 : index
    %get3A_15 = vector.load %arg3[%get3A_13, %get3A_14] : memref<1x128xf32, #tpu.memory_space<vmem>>, vector<1x128xf32>
    %add3A = vector.broadcast %get3A_15 : vector<1x128xf32> to vector<10000x128xf32>
    %add3A_16 = arith.addf %dot_general3A_12, %add3A : vector<10000x128xf32>
    %swap3A_17 = arith.constant 0 : index
    %swap3A_18 = arith.constant 0 : index
    %swap3A_19 = vector.load %arg5[%swap3A_17, %swap3A_18] : memref<10000x128xf32, #tpu.memory_space<vmem>>, vector<10000x128xf32>
    tpu.vector_store %arg5[%swap3A_17, %swap3A_18], %add3A_16 {strides = array<i32>} : memref<10000x128xf32, #tpu.memory_space<vmem>>, vector<10000x128xf32>,
    return
  }
}

module attributes {stable_mosaic.version = 14 : i64} {
  func.func @_mid_body(%arg0: memref<2x10112x128xf32, #tpu.memory_space<vmem>>, %arg1: memref<2x10112x128xf32, #tpu.memory_space<vmem>>, %arg2: memref<10000x128xf32, #tpu.memory_space<vmem>>, %arg3: memref<1x128xf32, #tpu.memory_space<vmem>>, %arg4: memref<1x128xf32, #tpu.memory_space<vmem>>, %arg5: memref<128x128xf32, #tpu.memory_space<vmem>>, %arg6: memref<128x128xf32, #tpu.memory_space<vmem>>, %arg7: memref<1x128xf32, #tpu.memory_space<vmem>>, %arg8: memref<10000x128xf32, #tpu.memory_space<vmem>>, %arg9: memref<10000x128xf32, #tpu.memory_space<vmem>>) attributes {dimension_semantics = [], scalar_prefetch = 0 : i64, scratch_operands = 0 : i64, tpu.core_type = #tpu.core_type<tc>} {
    %get3A = arith.constant 0 : index
    %get3A_0 = arith.constant 0 : index
    %get3A_1 = arith.constant 0 : index
    %get3A_2 = vector.load %arg0[%get3A, %get3A_0, %get3A_1] : memref<2x10112x128xf32, #tpu.memory_space<vmem>>, vector<1x10112x128xf32>
    %get3A_3 = vector.shape_cast %get3A_2 : vector<1x10112x128xf32> to vector<10112x128xf32>
    %get3A_4 = arith.constant 1 : index
    %get3A_5 = arith.constant 0 : index
    %get3A_6 = arith.constant 0 : index
    %get3A_7 = vector.load %arg0[%get3A_4, %get3A_5, %get3A_6] : memref<2x10112x128xf32, #tpu.memory_space<vmem>>, vector<1x10112x128xf32>
    %get3A_8 = vector.shape_cast %get3A_7 : vector<1x10112x128xf32> to vector<10112x128xf32>
    %add3A = arith.addf %get3A_3, %get3A_8 : vector<10112x128xf32>
    %slice3A = vector.extract_strided_slice %add3A {offsets = [0, 0], sizes = [10000, 128], strides = [1, 1]} : vector<10112x128xf32> to vector<10000x128xf32>
    %get3A_9 = arith.constant 0 : index
    %get3A_10 = arith.constant 0 : index
    %get3A_11 = arith.constant 0 : index
    %get3A_12 = vector.load %arg1[%get3A_9, %get3A_10, %get3A_11] : memref<2x10112x128xf32, #tpu.memory_space<vmem>>, vector<1x10112x128xf32>
    %get3A_13 = vector.shape_cast %get3A_12 : vector<1x10112x128xf32> to vector<10112x128xf32>
    %get3A_14 = arith.constant 1 : index
    %get3A_15 = arith.constant 0 : index
    %get3A_16 = arith.constant 0 : index
    %get3A_17 = vector.load %arg1[%get3A_14, %get3A_15, %get3A_16] : memref<2x10112x128xf32, #tpu.memory_space<vmem>>, vector<1x10112x128xf32>
    %get3A_18 = vector.shape_cast %get3A_17 : vector<1x10112x128xf32> to vector<10112x128xf32>
    %add3A_19 = arith.addf %get3A_13, %get3A_18 : vector<10112x128xf32>
    %slice3A_20 = vector.extract_strided_slice %add3A_19 {offsets = [0, 0], sizes = [10000, 128], strides = [1, 1]} : vector<10112x128xf32> to vector<10000x128xf32>
    %max3A = arith.constant 1.000000e+00 : f32
    %max3A_21 = vector.broadcast %max3A : f32 to vector<10000x128xf32>
    %max3A_22 = arith.maximumf %slice3A_20, %max3A_21 : vector<10000x128xf32>
    %div3A = arith.divf %slice3A, %max3A_22 : vector<10000x128xf32>
    %get3A_23 = arith.constant 0 : index
    %get3A_24 = arith.constant 0 : index
    %get3A_25 = vector.load %arg2[%get3A_23, %get3A_24] : memref<10000x128xf32, #tpu.memory_space<vmem>>, vector<10000x128xf32>
    %add3A_26 = arith.addf %div3A, %get3A_25 : vector<10000x128xf32>
    %reduce_sum3A = arith.constant dense<0.000000e+00> : vector<128xf32>
    %reduce_sum3A_27 = vector.multi_reduction <add>, %add3A_26, %reduce_sum3A [0] : vector<10000x128xf32> to vector<128xf32>
    %broadcast_in_dim3A = vector.shape_cast %reduce_sum3A_27 : vector<128xf32> to vector<1x128xf32>
    %div3A_28 = arith.constant 1.000000e+04 : f32
    %div3A_29 = vector.broadcast %div3A_28 : f32 to vector<1x128xf32>
    %div3A_30 = arith.divf %broadcast_in_dim3A, %div3A_29 : vector<1x128xf32>
    %sub3A = vector.broadcast %div3A_30 : vector<1x128xf32> to vector<10000x128xf32>
    %sub3A_31 = arith.subf %add3A_26, %sub3A : vector<10000x128xf32>
    %mul3A = arith.mulf %sub3A_31, %sub3A_31 : vector<10000x128xf32>
    %reduce_sum3A_32 = arith.constant dense<0.000000e+00> : vector<128xf32>
    %reduce_sum3A_33 = vector.multi_reduction <add>, %mul3A, %reduce_sum3A_32 [0] : vector<10000x128xf32> to vector<128xf32>
    %broadcast_in_dim3A_34 = vector.shape_cast %reduce_sum3A_33 : vector<128xf32> to vector<1x128xf32>
    %div3A_35 = arith.constant 1.000000e+04 : f32
    %div3A_36 = vector.broadcast %div3A_35 : f32 to vector<1x128xf32>
    %div3A_37 = arith.divf %broadcast_in_dim3A_34, %div3A_36 : vector<1x128xf32>
    %get3A_38 = arith.constant 0 : index
    %get3A_39 = arith.constant 0 : index
    %get3A_40 = vector.load %arg3[%get3A_38, %get3A_39] : memref<1x128xf32, #tpu.memory_space<vmem>>, vector<1x128xf32>
    %mul3A_41 = vector.broadcast %get3A_40 : vector<1x128xf32> to vector<10000x128xf32>
    %mul3A_42 = arith.mulf %mul3A_41, %sub3A_31 : vector<10000x128xf32>
    %add3A_43 = arith.constant 9.99999974E-6 : f32
    %add3A_44 = vector.broadcast %add3A_43 : f32 to vector<1x128xf32>
    %add3A_45 = arith.addf %div3A_37, %add3A_44 : vector<1x128xf32>
    %rsqrt3A = math.rsqrt %add3A_45 : vector<1x128xf32>
    %mul3A_46 = vector.broadcast %rsqrt3A : vector<1x128xf32> to vector<10000x128xf32>
    %mul3A_47 = arith.mulf %mul3A_42, %mul3A_46 : vector<10000x128xf32>
    %get3A_48 = arith.constant 0 : index
    %get3A_49 = arith.constant 0 : index
    %get3A_50 = vector.load %arg4[%get3A_48, %get3A_49] : memref<1x128xf32, #tpu.memory_space<vmem>>, vector<1x128xf32>
    %add3A_51 = vector.broadcast %get3A_50 : vector<1x128xf32> to vector<10000x128xf32>
    %add3A_52 = arith.addf %mul3A_47, %add3A_51 : vector<10000x128xf32>
    %max3A_53 = arith.constant 0.000000e+00 : f32
    %max3A_54 = vector.broadcast %max3A_53 : f32 to vector<10000x128xf32>
    %max3A_55 = arith.maximumf %add3A_52, %max3A_54 : vector<10000x128xf32>
    %get3A_56 = arith.constant 0 : index
    %get3A_57 = arith.constant 0 : index
    %get3A_58 = vector.load %arg5[%get3A_56, %get3A_57] : memref<128x128xf32, #tpu.memory_space<vmem>>, vector<128x128xf32>
    %dot_general3A = arith.constant dense<0.000000e+00> : vector<10000x128xf32>
    %dot_general3A_59 = tpu.matmul %max3A_55, %get3A_58, %dot_general3A {dimension_numbers = #tpu.dot_dimension_numbers<[1], [1], [0], [0], [0, 0, 1, 0], [], []>, transpose_lhs_hint = false} : vector<10000x128xf32>, vector<128x128xf32>, vector<10000x128xf32> -> vector<10000x128xf32>
    %swap3A = arith.constant 0 : index
    %swap3A_60 = arith.constant 0 : index
    %swap3A_61 = vector.load %arg8[%swap3A, %swap3A_60] : memref<10000x128xf32, #tpu.memory_space<vmem>>, vector<10000x128xf32>
    tpu.vector_store %arg8[%swap3A, %swap3A_60], %dot_general3A_59 {strides = array<i32>} : memref<10000x128xf32, #tpu.memory_space<vmem>>, vector<10000x128xf32>,
    %get3A_62 = arith.constant 0 : index
    %get3A_63 = arith.constant 0 : index
    %get3A_64 = vector.load %arg6[%get3A_62, %get3A_63] : memref<128x128xf32, #tpu.memory_space<vmem>>, vector<128x128xf32>
    %dot_general3A_65 = arith.constant dense<0.000000e+00> : vector<10000x128xf32>
    %dot_general3A_66 = tpu.matmul %max3A_55, %get3A_64, %dot_general3A_65 {dimension_numbers = #tpu.dot_dimension_numbers<[1], [1], [0], [0], [0, 0, 1, 0], [], []>, transpose_lhs_hint = false} : vector<10000x128xf32>, vector<128x128xf32>, vector<10000x128xf32> -> vector<10000x128xf32>
    %get3A_67 = arith.constant 0 : index
    %get3A_68 = arith.constant 0 : index
    %get3A_69 = vector.load %arg7[%get3A_67, %get3A_68] : memref<1x128xf32, #tpu.memory_space<vmem>>, vector<1x128xf32>
    %add3A_70 = vector.broadcast %get3A_69 : vector<1x128xf32> to vector<10000x128xf32>
    %add3A_71 = arith.addf %dot_general3A_66, %add3A_70 : vector<10000x128xf32>
    %swap3A_72 = arith.constant 0 : index
    %swap3A_73 = arith.constant 0 : index
    %swap3A_74 = vector.load %arg9[%swap3A_72, %swap3A_73] : memref<10000x128xf32, #tpu.memory_space<vmem>>, vector<10000x128xf32>
    tpu.vector_store %arg9[%swap3A_72, %swap3A_73], %add3A_71 {strides = array<i32>} : memref<10000x128xf32, #tpu.memory_space<vmem>>, vector<10000x128xf32>,
    return
  }
}

module attributes {stable_mosaic.version = 14 : i64} {
  func.func @_post_body(%arg0: memref<2x10112x128xf32, #tpu.memory_space<vmem>>, %arg1: memref<2x10112x128xf32, #tpu.memory_space<vmem>>, %arg2: memref<10000x128xf32, #tpu.memory_space<vmem>>, %arg3: memref<1x128xf32, #tpu.memory_space<vmem>>, %arg4: memref<1x128xf32, #tpu.memory_space<vmem>>, %arg5: memref<10000x128xf32, #tpu.memory_space<vmem>>) attributes {dimension_semantics = [], scalar_prefetch = 0 : i64, scratch_operands = 0 : i64, tpu.core_type = #tpu.core_type<tc>} {
    %get3A = arith.constant 0 : index
    %get3A_0 = arith.constant 0 : index
    %get3A_1 = arith.constant 0 : index
    %get3A_2 = vector.load %arg0[%get3A, %get3A_0, %get3A_1] : memref<2x10112x128xf32, #tpu.memory_space<vmem>>, vector<1x10112x128xf32>
    %get3A_3 = vector.shape_cast %get3A_2 : vector<1x10112x128xf32> to vector<10112x128xf32>
    %get3A_4 = arith.constant 1 : index
    %get3A_5 = arith.constant 0 : index
    %get3A_6 = arith.constant 0 : index
    %get3A_7 = vector.load %arg0[%get3A_4, %get3A_5, %get3A_6] : memref<2x10112x128xf32, #tpu.memory_space<vmem>>, vector<1x10112x128xf32>
    %get3A_8 = vector.shape_cast %get3A_7 : vector<1x10112x128xf32> to vector<10112x128xf32>
    %add3A = arith.addf %get3A_3, %get3A_8 : vector<10112x128xf32>
    %slice3A = vector.extract_strided_slice %add3A {offsets = [0, 0], sizes = [10000, 128], strides = [1, 1]} : vector<10112x128xf32> to vector<10000x128xf32>
    %get3A_9 = arith.constant 0 : index
    %get3A_10 = arith.constant 0 : index
    %get3A_11 = arith.constant 0 : index
    %get3A_12 = vector.load %arg1[%get3A_9, %get3A_10, %get3A_11] : memref<2x10112x128xf32, #tpu.memory_space<vmem>>, vector<1x10112x128xf32>
    %get3A_13 = vector.shape_cast %get3A_12 : vector<1x10112x128xf32> to vector<10112x128xf32>
    %get3A_14 = arith.constant 1 : index
    %get3A_15 = arith.constant 0 : index
    %get3A_16 = arith.constant 0 : index
    %get3A_17 = vector.load %arg1[%get3A_14, %get3A_15, %get3A_16] : memref<2x10112x128xf32, #tpu.memory_space<vmem>>, vector<1x10112x128xf32>
    %get3A_18 = vector.shape_cast %get3A_17 : vector<1x10112x128xf32> to vector<10112x128xf32>
    %add3A_19 = arith.addf %get3A_13, %get3A_18 : vector<10112x128xf32>
    %slice3A_20 = vector.extract_strided_slice %add3A_19 {offsets = [0, 0], sizes = [10000, 128], strides = [1, 1]} : vector<10112x128xf32> to vector<10000x128xf32>
    %max3A = arith.constant 1.000000e+00 : f32
    %max3A_21 = vector.broadcast %max3A : f32 to vector<10000x128xf32>
    %max3A_22 = arith.maximumf %slice3A_20, %max3A_21 : vector<10000x128xf32>
    %div3A = arith.divf %slice3A, %max3A_22 : vector<10000x128xf32>
    %get3A_23 = arith.constant 0 : index
    %get3A_24 = arith.constant 0 : index
    %get3A_25 = vector.load %arg2[%get3A_23, %get3A_24] : memref<10000x128xf32, #tpu.memory_space<vmem>>, vector<10000x128xf32>
    %add3A_26 = arith.addf %div3A, %get3A_25 : vector<10000x128xf32>
    %reduce_sum3A = arith.constant dense<0.000000e+00> : vector<128xf32>
    %reduce_sum3A_27 = vector.multi_reduction <add>, %add3A_26, %reduce_sum3A [0] : vector<10000x128xf32> to vector<128xf32>
    %broadcast_in_dim3A = vector.shape_cast %reduce_sum3A_27 : vector<128xf32> to vector<1x128xf32>
    %div3A_28 = arith.constant 1.000000e+04 : f32
    %div3A_29 = vector.broadcast %div3A_28 : f32 to vector<1x128xf32>
    %div3A_30 = arith.divf %broadcast_in_dim3A, %div3A_29 : vector<1x128xf32>
    %sub3A = vector.broadcast %div3A_30 : vector<1x128xf32> to vector<10000x128xf32>
    %sub3A_31 = arith.subf %add3A_26, %sub3A : vector<10000x128xf32>
    %mul3A = arith.mulf %sub3A_31, %sub3A_31 : vector<10000x128xf32>
    %reduce_sum3A_32 = arith.constant dense<0.000000e+00> : vector<128xf32>
    %reduce_sum3A_33 = vector.multi_reduction <add>, %mul3A, %reduce_sum3A_32 [0] : vector<10000x128xf32> to vector<128xf32>
    %broadcast_in_dim3A_34 = vector.shape_cast %reduce_sum3A_33 : vector<128xf32> to vector<1x128xf32>
    %div3A_35 = arith.constant 1.000000e+04 : f32
    %div3A_36 = vector.broadcast %div3A_35 : f32 to vector<1x128xf32>
    %div3A_37 = arith.divf %broadcast_in_dim3A_34, %div3A_36 : vector<1x128xf32>
    %get3A_38 = arith.constant 0 : index
    %get3A_39 = arith.constant 0 : index
    %get3A_40 = vector.load %arg3[%get3A_38, %get3A_39] : memref<1x128xf32, #tpu.memory_space<vmem>>, vector<1x128xf32>
    %mul3A_41 = vector.broadcast %get3A_40 : vector<1x128xf32> to vector<10000x128xf32>
    %mul3A_42 = arith.mulf %mul3A_41, %sub3A_31 : vector<10000x128xf32>
    %add3A_43 = arith.constant 9.99999974E-6 : f32
    %add3A_44 = vector.broadcast %add3A_43 : f32 to vector<1x128xf32>
    %add3A_45 = arith.addf %div3A_37, %add3A_44 : vector<1x128xf32>
    %rsqrt3A = math.rsqrt %add3A_45 : vector<1x128xf32>
    %mul3A_46 = vector.broadcast %rsqrt3A : vector<1x128xf32> to vector<10000x128xf32>
    %mul3A_47 = arith.mulf %mul3A_42, %mul3A_46 : vector<10000x128xf32>
    %get3A_48 = arith.constant 0 : index
    %get3A_49 = arith.constant 0 : index
    %get3A_50 = vector.load %arg4[%get3A_48, %get3A_49] : memref<1x128xf32, #tpu.memory_space<vmem>>, vector<1x128xf32>
    %add3A_51 = vector.broadcast %get3A_50 : vector<1x128xf32> to vector<10000x128xf32>
    %add3A_52 = arith.addf %mul3A_47, %add3A_51 : vector<10000x128xf32>
    %max3A_53 = arith.constant 0.000000e+00 : f32
    %max3A_54 = vector.broadcast %max3A_53 : f32 to vector<10000x128xf32>
    %max3A_55 = arith.maximumf %add3A_52, %max3A_54 : vector<10000x128xf32>
    %swap3A = arith.constant 0 : index
    %swap3A_56 = arith.constant 0 : index
    %swap3A_57 = vector.load %arg5[%swap3A, %swap3A_56] : memref<10000x128xf32, #tpu.memory_space<vmem>>, vector<10000x128xf32>
    tpu.vector_store %arg5[%swap3A, %swap3A_56], %max3A_55 {strides = array<i32>} : memref<10000x128xf32, #tpu.memory_space<vmem>>, vector<10000x128xf32>,
    return
  }
}

</mosaic_0001>

<sc_bundles>
// kernel: kernel.11.cloned.1.call-start
scs
__scs_entry_jumppad:
0x0: {  	(pc) =	sbr.rel $0x88, $3  }
0x1: {  	(tag) =	ssettag $0x0;
	lr =	simm.s32 $0x1  }
0x2: {  	[smem:$0x3F95] =	sst lr;
	_ =	strace $0xD0000000  }
0x3: {  	_ = 	snop  }
0x4: {  	_ = 	snop  }
0x5: {  	_ = 	snop  }
0x6: {  	_ = 	snop  }
0x7: {  	_ = 	snop  }
__scs_overlays_trampoline_lowered:
0x8: {  	[smem:$0x3FA4] =	sst s0  }
0x9: {  	[smem:$0x3FA5] =	sst s1  }
0xa: {  	[smem:$0x3FA6] =	sst s2  }
0xb: {  	[smem:$0x3FA7] =	sst s3  }
0xc: {  	[smem:$0x3FA8] =	sst s4  }
0xd: {  	[smem:$0x3FA9] =	sst s5  }
0xe: {  	[smem:$0x3FAA] =	sst s6  }
0xf: {  	[smem:$0x3FAB] =	sst s7  }
0x10: {  	[smem:$0x3FAC] =	sst s8  }
0x11: {  	[smem:$0x3FAD] =	sst s9;
	s0 =	simm.s32 @!p0 $0x0  }
0x12: {  	s1 =	sld [smem:$0x3F93];
	s0 =	simm.s32 @p0 $0x1  }
0x13: {  	[smem:$0x3FAE] =	sst s0;
	s0 =	simm.s32 @!p1 $0x0  }
0x14: {  	s2 =	sld [smem:$0x3F92];
	s0 =	simm.s32 @p1 $0x1  }
0x15: {  	[smem:$0x3FAF] =	sst s0;
	s0 =	simm.s32 @!p2 $0x0  }
0x16: {  	s3 =	sld [smem:$0x3FDB];
	s0 =	simm.s32 @p2 $0x1  }
0x17: {  	s4 =	simm.s32 $0x1BF5;
	[smem:$0x3FB1] =	sst s0  }
0x18: {  	s0 =	sld [smem:$0x3F94];
	_ =	swait.ge [sflag:s4], $0x0  }
0x19: {  	s7 =	sld [smem:$0x3F95]  }
0x1a: {  	s8 =	sadd.s32 $0xFFFFE003, lr  }
0x1b: {  	s9 =	sadd.s32 $0xFFFFFEF7, lr;
	s5 =	simm.s32 $0xFFFFFFFF;
	p2 =	slt.u32 s8, $0xFFFFF086  }
0x1c: {  	p1 =	slt.u32 s9, $0xF7A;
	s5 =	simm.s32 @!p2 $0x0  }
0x1d: {  	s5 =	simm.s32 @p1 $0x1;
	p0 =	seq.s32 s7, s2  }
0x1e: {  	s7 =	smul.u32 @!p0 $0xF7A, s2;
	p2 =	seq.s32 @!p0 s5, $0x0  }
0x1f: {  	s9 =	smul.u32 $0xF7A, s1;
	s8 =	simm.s32 @!p0 $0x1BF5;
	p2 =	por !p2, p0  }
0x20: {  	[sflag:s8] =	ssyncset.s32 @!p0 $0xFFFFF086;
	s6 =	sadd.s32 @!p0 s3, s7;
	s7 =	simm.s32 @!p0 $0x108  }
0x21: {  	s3 =	sadd.s32 s3, s9;
	s6 =	sadd.s32 @!p0 $0x88, s6;
	s7 =	simm.s32 @p2 $0x1082  }
0x22: {  	[simem:s7], [sflag:s8] =	dma.local @!p0 [hbm:s6], $0xF7A  }
0x23: {  	s9 =	sor.u32 $0xD0000000, s2;
	s6 =	simm.s32 $0x108;
	_ =	swait.ge @!p0 [sflag:s8], $0x0  }
0x24: {  	s3 =	sadd.s32 $0x88, s3;
	s6 =	simm.s32 @!p1 $0x1082;
	[sflag:s4] =	ssyncset.s32 $0xFFFFF086  }
0x25: {  	[simem:s6], [sflag:s4] =	dma.local [hbm:s3], $0xF7A  }
0x26: {  	[smem:$0x3F95] =	sst s1;
	(tag) =	ssettag s2;
	_ =	strace s9  }
0x27: {  	s1 =	sld [smem:$0x3FA5]  }
0x28: {  	s2 =	sld [smem:$0x3FA6]  }
0x29: {  	s4 =	sld [smem:$0x3FA8]  }
0x2a: {  	p0 =	seq.s32 s5, $0x0;
	s5 =	sld [smem:$0x3FA9]  }
0x2b: {  	s6 =	sld [smem:$0x3FAA]  }
0x2c: {  	s7 =	sld [smem:$0x3FAB]  }
0x2d: {  	s3 =	simm.s32 $0x108;
	s8 =	sld [smem:$0x3FAC]  }
0x2e: {  	s3 =	simm.s32 @!p0 $0x1082;
	s9 =	sld [smem:$0x3FAD]  }
0x2f: {  	lr =	sadd.s32 s0, s3;
	s0 =	sld [smem:$0x3FA4]  }
0x30: {  	s3 =	sld [smem:$0x3FA7]  }
0x31: {  	[smem:$0x3FB0] =	sst s10  }
0x32: {  	s10 =	sld [smem:$0x3FAE];
	_ =	sdelay $0x3  }
0x33: {  	p0 =	seq.s32 s10, $0x1;
	s10 =	sld [smem:$0x3FB0];
	_ =	sdelay $0x3  }
0x34: {  	[smem:$0x3FB0] =	sst s10  }
0x35: {  	s10 =	sld [smem:$0x3FAF];
	_ =	sdelay $0x3  }
0x36: {  	p1 =	seq.s32 s10, $0x1;
	s10 =	sld [smem:$0x3FB0];
	_ =	sdelay $0x3  }
0x37: {  	[smem:$0x3FB0] =	sst s10  }
0x38: {  	s10 =	sld [smem:$0x3FB1]  }
0x39: {  	_ = 	snop;
	(pc) =	sbr.ind lr, $3  }
0x3a: {  	_ = 	snop  }
0x3b: {  	_ = 	snop  }
0x3c: {  	p2 =	seq.s32 s10, $0x1;
	s10 =	sld [smem:$0x3FB0]  }
0x3d: {  	_ =	shalt  }
0x3e: {  	_ =	shalt  }
0x3f: {  	_ =	shalt  }
0x40: {  	_ =	shalt  }
0x41: {  	_ =	shalt  }
0x42: {  	_ =	shalt  }
0x43: {  	_ =	shalt  }
0x44: {  	_ =	shalt  }
0x45: {  	_ =	shalt  }
0x46: {  	_ =	shalt  }
0x47: {  	_ =	shalt  }
0x48: {  	_ =	shalt  }
0x49: {  	_ =	shalt  }
0x4a: {  	_ =	shalt  }
0x4b: {  	_ =	shalt  }
0x4c: {  	_ =	shalt  }
0x4d: {  	_ =	shalt  }
0x4e: {  	_ =	shalt  }
0x4f: {  	_ =	shalt  }
0x50: {  	_ =	shalt  }
0x51: {  	_ =	shalt  }
0x52: {  	_ =	shalt  }
0x53: {  	_ =	shalt  }
0x54: {  	_ =	shalt  }
0x55: {  	_ =	shalt  }
0x56: {  	_ =	shalt  }
0x57: {  	_ =	shalt  }
0x58: {  	_ =	shalt  }
0x59: {  	_ =	shalt  }
0x5a: {  	_ =	shalt  }
0x5b: {  	_ =	shalt  }
0x5c: {  	_ =	shalt  }
0x5d: {  	_ =	shalt  }
0x5e: {  	_ =	shalt  }
0x5f: {  	_ =	shalt  }
0x60: {  	_ =	shalt  }
0x61: {  	_ =	shalt  }
0x62: {  	_ =	shalt  }
0x63: {  	_ =	shalt  }
0x64: {  	_ =	shalt  }
0x65: {  	_ =	shalt  }
0x66: {  	_ =	shalt  }
0x67: {  	_ =	shalt  }
0x68: {  	_ =	shalt  }
0x69: {  	_ =	shalt  }
0x6a: {  	_ =	shalt  }
0x6b: {  	_ =	shalt  }
0x6c: {  	_ =	shalt  }
0x6d: {  	_ =	shalt  }
0x6e: {  	_ =	shalt  }
0x6f: {  	_ =	shalt  }
0x70: {  	_ =	shalt  }
0x71: {  	_ =	shalt  }
0x72: {  	_ =	shalt  }
0x73: {  	_ =	shalt  }
0x74: {  	_ =	shalt  }
0x75: {  	_ =	shalt  }
0x76: {  	_ =	shalt  }
0x77: {  	_ =	shalt  }
0x78: {  	_ =	shalt  }
0x79: {  	_ =	shalt  }
0x7a: {  	_ =	shalt  }
0x7b: {  	_ =	shalt  }
0x7c: {  	_ =	shalt  }
0x7d: {  	_ =	shalt  }
0x7e: {  	_ =	shalt  }
0x7f: {  	_ =	shalt  }
0x80: {  	_ =	shalt  }
0x81: {  	_ =	shalt  }
0x82: {  	_ =	shalt  }
0x83: {  	_ =	shalt  }
0x84: {  	_ =	shalt  }
0x85: {  	_ =	shalt  }
0x86: {  	_ =	shalt  }
0x87: {  	_ =	shalt  }
.Lfunc_end0:
.L_simem_size_0:
called_computation.1_lowered:
.L_overlay_start_0:
0x88: {  	s2 =	sld [smem:$0x3FD9]  }
0x89: {  	s3 =	sld [smem:$0x3FFE];
	_ =	sdelay $0x1  }
0x8a: {  	s1 =	srdreg.scid  }
0x8b: {  	s0 =	sand.u32 $0x1, s1  }
0x8c: {  	s17 =	sshll.u32 s0, $0xA;
	s2 =	sadd.s32 s3, s2  }
0x8d: {  	s2 =	sadd.s32 s2, s17  }
0x8e: {  	[smem:$0x3FBC] =	sst s2  }
0x8f: {  	_ = 	snop  }
0x90: {  	s2 =	sld [smem:$0x3FD0];
	(tm) =	ssettm $0x1  }
0x91: {  	s18 =	sld [smem:$0x3FFB];
	_ =	sdelay $0x3  }
0x92: {  	_ =	strace s18  }
0x93: {  	s3 =	sld [smem:$0x3FFC];
	_ =	sdelay $0x3  }
0x94: {  	_ =	strace s3  }
0x95: {  	s3 =	sld [smem:$0x3FFD];
	_ =	sdelay $0x3  }
0x96: {  	_ =	strace s3  }
0x97: {  	_ =	strace $0x8FFFFFFF  }
0x98: {  	s19 =	sld [smem:$0x3FDB];
	_ =	sdelay $0x1  }
0x99: {  	s4 =	simm.s32 $_scs_section_size  }
0x9a: {  	s5 =	simm.s32 $_size__tile_overlayer_lowered;
	s6 =	simm.s32 $_tile_overlayer_lowered  }
0x9b: {  	s22 =	simm.s32 $0x1BFF;
	s21 =	sshll.u32 s6, $0x1;
	s3 =	sadd.s32 s4, s19  }
0x9c: {  	s7 =	simm.s32 $0x0;
	s20 =	sshll.u32 s5, $0x1;
	s5 =	sadd.s32 s21, s3  }
0x9d: {  	[timem:s7], [sflag:s22] =	dma.local [hbm:s5], s20  }
0x9e: {  	_ =	swait.ge [sflag:s22], s20  }
0x9f: {  	s4 =	ssub.s32 $0x0, s20;
	[sflag:s22] =	ssyncset.done $0x0  }
0xa0: {  	[sflag:s22] =	ssyncadd.s32 s4;
	_ =	sdelay $0x1  }
0xa1: {  	s23 =	simm.s32 $0x1B8B  }
0xa2: {  	_ =	swait.ge [sflag:s23], $0x1  }
0xa3: {  	[sflag:s23] =	ssyncset.done $0x0  }
0xa4: {  	s25 =	simm.s32 $0x1B8E;
	s24 =	sld [smem:$0x3FFE];
	[sflag:s23] =	ssyncadd.s32 $0xFFFFFFFF  }
0xa5: {  	s26 =	simm.s32 $execute0_lowered;
	[smem:$0x3FD2] =	sst s25  }
0xa6: {  	s5 =	sshll.u32 s26, $0x1;
	_ =	strace $0x80000046;
	[dreg:$0x1] =	wrdreg $0xFFFFFFFF  }
0xa7: {  	s28 =	simm.s32 $_size_execute0_lowered;
	s3 =	sadd.s32 s3, s5;
	[dreg:$0x0] =	wrdreg $0x0  }
0xa8: {  	s5 =	sshll.u32 s28, $0x1;
	[dreg:$0x2] =	wrdreg s3  }
0xa9: {  	[dreg:$0x3] =	wrdreg s5  }
0xaa: {  	[dreg:$0x4] =	wrdreg $0xC0  }
0xab: {  	_ =	task [dreg:s7], $0x5FFFF  }
0xac: {  	[dreg:$0x1] =	wrdreg $0xFFFFFFFF  }
0xad: {  	[dreg:$0x0] =	wrdreg $0x60  }
0xae: {  	[dreg:$0x2] =	wrdreg s2  }
0xaf: {  	[dreg:$0x3] =	wrdreg s24  }
0xb0: {  	[dreg:$0x4] =	wrdreg $0x82800  }
0xb1: {  	[dreg:$0x5] =	wrdreg $0xA  }
0xb2: {  	_ =	task.clear_ibuf [dreg:s7], $0x6FFFF;
	_ =	strace $0x90000046  }
0xb3: {  	s29 =	simm.s32 $0xA;
	_ =	strace $0x80000048  }
0xb4: {  	_ =	swait.ge [sflag:s29], $0x1  }
0xb5: {  	[sflag:s29] =	ssyncadd.s32 $0xFFFFFFFF  }
0xb6: {  	_ =	strace $0x90000048  }
0xb7: {  	_ =	sfence  }
0xb8: {  	s30 =	sld [smem:$0x0];
	_ =	sdelay $0x2  }
0xb9: {  	s31 =	sshll.u32 s1, $0xD;
	s1 =	sshrl.u32 s1, $0x2  }
0xba: {  	s3 =	sand.u32 $0x4000, s31;
	s1 =	sadd.s32 s1, s30  }
0xbb: {  	s0 =	sor.u32 s3, s0;
	s1 =	sshll.u32 s1, $0x11  }
0xbc: {  	s0 =	sor.u32 s1, s0  }
0xbd: {  	s0 =	sadd.s32 $0x8F2B, s0  }
0xbe: {  	[sflag:s0] =	ssyncadd.remote.s32 $0x1  }
0xbf: {  	_ =	sfence.sel $0xFFFF  }
0xc0: {  	[dreg:$0x0] =	wrdreg $0xFFFFFFFF;
	(pc) =	sbr.abs _section_cstart, $3  }
0xc1: {  	[dreg:$0x1] =	wrdreg $0xFFFFFFFF  }
0xc2: {  	_ =	task.clear_ibuf [dreg:s7], $0x2FFFF;
	_ =	strace $0x9FFFFFFF  }
0xc3: {  	(tm) =	ssettm $0x7FFFFFFF  }
tec
execute0_lowered:
.L_overlay_start_1:
0x0: {  	(tag) =	ssettag $0x1  }
0x1: {  	s2 =	rddreg [dreg:$0x0]  }
0x2: {  	s0 =	rddreg [dreg:$0x1]  }
0x3: {  	s3 =	rddreg [dreg:$0x2]  }
0x4: {  	s12 =	stileid.u32;
	s5 =	srdreg.scid;
	s4 =	simm.s32 $0x0  }
0x5: {  	s14 =	simm.s32 $0x5;
	s20 =	simm.s32 $0x80;
	s21 =	simm.s32 $0x200  }
0x6: {  	s22 =	simm.s32 $0x1;
	s1 =	smul.u32 $0x13C00, s12;
	s6 =	sand.u32 $0x1, s5  }
0x7: {  	[smem:$0x7FF] =	sst s4;
	s5 =	sadd.s32 $0x2C00, s0;
	s9 =	smul.u32 $0x4F000, s12  }
0x8: {  	s29 =	sshll.u32 s12, $0x6;
	s8 =	smul.u32 $0x13C000, s6;
	_ =	strace $0x80000047  }
0x9: {  	s23 =	sshll.u32 s6, $0x4;
	s6 =	ssub.s32 $0x2, s6;
	s7 =	sshrl.u32 s1, $0x3  }
0xa: {  	s10 =	sshrl.u32 s6, $0x1;
	s9 =	sshrl.u32 s9, $0x2;
	s7 =	sadd.s32 s7, s0  }
0xb: {  	s1 =	sadd.s32 s1, s8;
	s8 =	sor.u32 s12, s23;
	s24 =	ssub.s32 s6, s10  }
0xc: {  	s13 =	sadd.s32 s9, s3;
	s23 =	simm.s32 $0x4;
	s11 =	smul.u32 $0x4F00, s8  }
0xd: {  	s1 =	sshrl.u32 s1, $0x3;
	s25 =	sadd.s32 $0x16800, s7;
	s26 =	smul.u32 $0x9E0, s8  }
0xe: {  	s30 =	smul.u32 $0x4F, s8;
	s7 =	sor.u32 $0x1C05, s29;
	s12 =	smax.u32 s24, $0x1  }
0xf: {  	s13 =	sshrl.u32 s13, $0x3;
	s24 =	simm.s32 $0x0;
	s28 =	sshrl.u32 s11, $0x3  }
0x10: {  	s0 =	sadd.s32 s1, s0;
	[dreg:$0x4] =	wrdreg s25;
	s31 =	sadd.s32 s5, s28  }
0x11: {  	s8 =	sadd.s32 s5, s26;
	s10 =	sadd.s32 $0x2, s30;
	s9 =	sadd.s32 $0x20, s31  }
0x12: {  	s11 =	sadd.s32 $0x3E000, s0;
	s15 =	sadd.s32 $0x10, s8;
	s18 =	sadd.s32 $0x10, s9  }
.LBB2_1:
0x13: {  	s0 =	rddreg [dreg:$0x4]  }
0x14: {  	[spmem:s13], [sflag:s7] =	dma.local [hbm:s0], $0x2780  }
0x15: {  	_ =	swait.ge [sflag:s14], $0x2780  }
0x16: {  	[sflag:s14] =	ssyncset.done $0x0  }
0x17: {  	[sflag:s14] =	ssyncadd.s32 $0xFFFFD880  }
0x18: {  	[bflag:$0x0] =	sbarrier.arrive $0xFFFF  }
0x19: {  	[tilespmem:s4], [sflag:$0x1] =	stream.linear.gather [hbm4b:s8+s4], $0x80, $0x38;
	[tilespmem:$0x1BE80] =	vst v63  }
0x1a: {  	s1 =	simm.s32 $0x100  }
0x1b: {  	[tilespmem:s1], [sflag:$0x1] =	stream.linear.gather [hbm4b:s15+s4], $0x80, $0x38;
	[tilespmem:$0x1BE80] =	vst v63  }
0x1c: {  	_ =	swait.ge [sflag:s22], $0x100  }
0x1d: {  	[sflag:s22] =	ssyncset.done $0x0  }
0x1e: {  	s6 =	simm.s32 $0x280;
	[sflag:s22] =	ssyncadd.s32 $0xFFFFFF00  }
0x1f: {  	[tilespmem:s6], [sflag:$0x3] =	stream.indirect.gather [hbm4b:s2+s20], $0x80, s4, s20, $0xb8;
	[tilespmem:$0x1BE80] =	vst v63  }
0x20: {  	s17 =	sand.u32 $0x1, s22  }
0x21: {  	[tilespmem:s20], [sflag:$0x2] =	stream.linear.gather [hbm4b:s9+s4], $0x80, $0x38;
	[tilespmem:$0x1BE80] =	vst v63  }
0x22: {  	s16 =	simm.s32 $0x180;
	s1 =	sadd.s32 $0x1, s17  }
0x23: {  	[tilespmem:s16], [sflag:$0x2] =	stream.linear.gather [hbm4b:s18+s4], $0x80, $0x38;
	[tilespmem:$0x1BE80] =	vst v63  }
0x24: {  	s25 =	sand.u32 $0x80, s20;
	s26 =	simm.s32 $0x0;
	_ =	swait.ge [sflag:s1], $0x100  }
0x25: {  	s0 =	sadd.s32 $0x3, s17;
	s16 =	sshll.u32 s17, $0xE;
	[sflag:s1] =	ssyncset.done $0x0  }
0x26: {  	s19 =	sor.u32 $0x280, s16;
	s16 =	sand.u32 $0x80, s26;
	[sflag:s1] =	ssyncadd.s32 $0xFFFFFF00  }
0x27: {  	[tilespmem:s19], [sflag:s0] =	stream.indirect.gather [hbm4b:s2+s20], $0x80, s25, s20, $0xb8;
	[tilespmem:$0x1BE80] =	vst v63  }
0x28: {  	v0 =	vld [tilespmem:s16+$0x100];
	_ =	sdelay $0x4  }
0x29: {  	[tilespmem:$0x200] =	vst v0  }
0x2a: {  	v0 =	vld [tilespmem:s16+$0x110];
	_ =	sdelay $0x4  }
0x2b: {  	[tilespmem:$0x210] =	vst v0  }
0x2c: {  	v0 =	vld [tilespmem:s16+$0x120];
	_ =	sdelay $0x4  }
0x2d: {  	[tilespmem:$0x220] =	vst v0  }
0x2e: {  	v0 =	vld [tilespmem:s16+$0x130];
	_ =	sdelay $0x4  }
0x2f: {  	[tilespmem:$0x230] =	vst v0  }
0x30: {  	v0 =	vld [tilespmem:s16+$0x140];
	_ =	sdelay $0x4  }
0x31: {  	[tilespmem:$0x240] =	vst v0  }
0x32: {  	v0 =	vld [tilespmem:s16+$0x150];
	_ =	sdelay $0x4  }
0x33: {  	[tilespmem:$0x250] =	vst v0  }
0x34: {  	v0 =	vld [tilespmem:s16+$0x160];
	_ =	sdelay $0x4  }
0x35: {  	[tilespmem:$0x260] =	vst v0  }
0x36: {  	v0 =	vld [tilespmem:s16+$0x170];
	_ =	sdelay $0x2  }
0x37: {  	s1 =	simm.s32 $0x0  }
0x38: {  	s6 =	sand.u32 $0x1, s1  }
0x39: {  	s17 =	sadd.s32 $0x3, s6;
	[tilespmem:$0x270] =	vst v0  }
0x3a: {  	s30 =	simm.s32 $0x3;
	_ =	swait.ge [sflag:s17], $0x4000  }
0x3b: {  	s31 =	sor.u32 $0x100, s16;
	s19 =	sshll.u32 s6, $0xE;
	[sflag:s17] =	ssyncset.done $0x0  }
0x3c: {  	s0 =	smin.u32 s1, $0x4C;
	s26 =	sor.u32 $0x280, s19;
	[sflag:s17] =	ssyncadd.s32 $0xFFFFC000  }
0x3d: {  	[spmem:s3] =	stream.indirect.scatter.add.f32 [tilespmem:s26], [sflag:$0x5], $0x80, s21, s20, $0xb8;
	[tilespmem:$0x1BE80] =	vst v63  }
0x3e: {  	s25 =	simm.s32 $0x2;
	s0 =	sadd.s32 s0, s10;
	_ =	swait.ge [sflag:s14], $0x4000  }
0x3f: {  	s29 =	sand.u32 $0x1, s25;
	s0 =	sshll.u32 s0, $0x5;
	[sflag:s14] =	ssyncset.done $0x0  }
0x40: {  	s1 =	sadd.s32 $0x1, s6;
	s0 =	sadd.s32 s5, s0;
	[sflag:s14] =	ssyncadd.s32 $0xFFFFC000  }
0x41: {  	[tilespmem:s16], [sflag:s1] =	stream.linear.gather [hbm4b:s0+s4], $0x80, $0x38;
	[tilespmem:$0x1BE80] =	vst v63  }
0x42: {  	s28 =	sshll.u32 s29, $0xE;
	s26 =	simm.s32 $0x100;
	s16 =	sadd.s32 $0x10, s0  }
.LBB2_2:
0x43: {  	[tilespmem:s31], [sflag:s1] =	stream.linear.gather [hbm4b:s16+s4], $0x80, $0x38;
	[tilespmem:$0x1BE80] =	vst v63  }
0x44: {  	s1 =	smov.u32 s30  }
0x45: {  	s0 =	sadd.s32 $0x1, s30;
	s31 =	sadd.s32 $0x1, s29;
	s16 =	sand.u32 $0x1, s1  }
0x46: {  	s29 =	sadd.s32 $0x3, s29;
	s17 =	sshll.u32 s16, $0xE;
	_ =	swait.ge [sflag:s31], $0x100  }
0x47: {  	s19 =	sand.u32 $0x80, s26;
	s6 =	sadd.s32 $0xFFFFFF80, s26;
	[sflag:s31] =	ssyncset.done $0x0  }
0x48: {  	s28 =	sor.u32 $0x280, s28;
	[sflag:s31] =	ssyncadd.s32 $0xFFFFFF00;
	s31 =	sand.u32 $0x80, s6  }
0x49: {  	[tilespmem:s28], [sflag:s29] =	stream.indirect.gather [hbm4b:s2+s20], $0x80, s19, s20, $0xb8;
	[tilespmem:$0x1BE80] =	vst v63  }
0x4a: {  	p0 =	sne.s32 s30, $0x4F;
	s29 =	smov.u32 s16;
	s28 =	smov.u32 s17;
	v0 =	vld [tilespmem:s31+$0x100]  }
0x4b: {  	_ =	sdelay $0x3  }
0x4c: {  	[tilespmem:$0x200] =	vst v0  }
0x4d: {  	v0 =	vld [tilespmem:s31+$0x110];
	_ =	sdelay $0x4  }
0x4e: {  	[tilespmem:$0x210] =	vst v0  }
0x4f: {  	v0 =	vld [tilespmem:s31+$0x120];
	_ =	sdelay $0x4  }
0x50: {  	[tilespmem:$0x220] =	vst v0  }
0x51: {  	v0 =	vld [tilespmem:s31+$0x130];
	_ =	sdelay $0x4  }
0x52: {  	[tilespmem:$0x230] =	vst v0  }
0x53: {  	v0 =	vld [tilespmem:s31+$0x140];
	_ =	sdelay $0x4  }
0x54: {  	[tilespmem:$0x240] =	vst v0  }
0x55: {  	v0 =	vld [tilespmem:s31+$0x150];
	_ =	sdelay $0x4  }
0x56: {  	[tilespmem:$0x250] =	vst v0  }
0x57: {  	v0 =	vld [tilespmem:s31+$0x160];
	_ =	sdelay $0x4  }
0x58: {  	[tilespmem:$0x260] =	vst v0  }
0x59: {  	v0 =	vld [tilespmem:s31+$0x170];
	_ =	sdelay $0x2  }
0x5a: {  	s6 =	sadd.s32 $0xFFFFFFFF, s25;
	s25 =	smov.u32 s1  }
0x5b: {  	s1 =	sand.u32 $0x1, s6;
	s6 =	smin.u32 s6, $0x4C  }
0x5c: {  	s16 =	sshll.u32 s1, $0xE;
	s17 =	sadd.s32 $0x3, s1;
	s6 =	sadd.s32 s6, s10;
	[tilespmem:$0x270] =	vst v0  }
0x5d: {  	s6 =	sshll.u32 s6, $0x5;
	_ =	swait.ge [sflag:s17], $0x4000  }
0x5e: {  	[sflag:s17] =	ssyncset.done $0x0  }
0x5f: {  	s16 =	sor.u32 $0x280, s16;
	[sflag:s17] =	ssyncadd.s32 $0xFFFFC000  }
0x60: {  	[spmem:s3] =	stream.indirect.scatter.add.f32 [tilespmem:s16], [sflag:$0x5], $0x80, s21, s20, $0xb8;
	[tilespmem:$0x1BE80] =	vst v63  }
.Ltmp0:
0x61: {  	_ =	swait.ge [sflag:s14], $0x4000;
	(pc) =	sbr.rel @p0 .LBB2_2-.Ltmp0, $4  }
0x62: {  	s26 =	sadd.s32 $0x80, s26;
	[sflag:s14] =	ssyncset.done $0x0  }
0x63: {  	s1 =	sadd.s32 $0x1, s1;
	s6 =	sadd.s32 s5, s6;
	[sflag:s14] =	ssyncadd.s32 $0xFFFFC000  }
0x64: {  	[tilespmem:s31], [sflag:s1] =	stream.linear.gather [hbm4b:s6+s4], $0x80, $0x38;
	[tilespmem:$0x1BE80] =	vst v63  }
0x65: {  	s30 =	smov.u32 s0;
	s16 =	sadd.s32 $0x10, s6;
	s31 =	sor.u32 $0x100, s31  }
0x66: {  	[tilespmem:s31], [sflag:s1] =	stream.linear.gather [hbm4b:s16+s4], $0x80, $0x38;
	[tilespmem:$0x1BE80] =	vst v63  }
0x67: {  	s0 =	sadd.s32 $0x1, s29  }
0x68: {  	s17 =	sadd.s32 $0x3, s29;
	_ =	swait.ge [sflag:s0], $0x100  }
0x69: {  	s6 =	sand.u32 $0x80, s26;
	s19 =	sadd.s32 $0xFFFFFF80, s26;
	[sflag:s0] =	ssyncset.done $0x0  }
0x6a: {  	s26 =	sor.u32 $0x280, s28;
	s16 =	sand.u32 $0x80, s19;
	[sflag:s0] =	ssyncadd.s32 $0xFFFFFF00  }
0x6b: {  	[tilespmem:s26], [sflag:s17] =	stream.indirect.gather [hbm4b:s2+s20], $0x80, s6, s20, $0xb8;
	[tilespmem:$0x1BE80] =	vst v63  }
0x6c: {  	v0 =	vld [tilespmem:s16+$0x100];
	_ =	sdelay $0x4  }
0x6d: {  	[tilespmem:$0x200] =	vst v0  }
0x6e: {  	v0 =	vld [tilespmem:s16+$0x110];
	_ =	sdelay $0x4  }
0x6f: {  	[tilespmem:$0x210] =	vst v0  }
0x70: {  	v0 =	vld [tilespmem:s16+$0x120];
	_ =	sdelay $0x4  }
0x71: {  	[tilespmem:$0x220] =	vst v0  }
0x72: {  	v0 =	vld [tilespmem:s16+$0x130];
	_ =	sdelay $0x4  }
0x73: {  	[tilespmem:$0x230] =	vst v0  }
0x74: {  	v0 =	vld [tilespmem:s16+$0x140];
	_ =	sdelay $0x4  }
0x75: {  	[tilespmem:$0x240] =	vst v0  }
0x76: {  	v0 =	vld [tilespmem:s16+$0x150];
	_ =	sdelay $0x4  }
0x77: {  	[tilespmem:$0x250] =	vst v0  }
0x78: {  	v0 =	vld [tilespmem:s16+$0x160];
	_ =	sdelay $0x4  }
0x79: {  	[tilespmem:$0x260] =	vst v0  }
0x7a: {  	v0 =	vld [tilespmem:s16+$0x170];
	_ =	sdelay $0x2  }
0x7b: {  	s28 =	sadd.s32 $0xFFFFFFFF, s25  }
0x7c: {  	s29 =	sand.u32 $0x1, s28  }
0x7d: {  	s30 =	sadd.s32 $0x3, s29;
	[tilespmem:$0x270] =	vst v0  }
0x7e: {  	_ =	swait.ge [sflag:s30], $0x4000  }
0x7f: {  	s17 =	sshll.u32 s29, $0xE;
	[sflag:s30] =	ssyncset.done $0x0  }
0x80: {  	s0 =	smin.u32 s28, $0x4C;
	s17 =	sor.u32 $0x280, s17;
	[sflag:s30] =	ssyncadd.s32 $0xFFFFC000  }
0x81: {  	[spmem:s3] =	stream.indirect.scatter.add.f32 [tilespmem:s17], [sflag:$0x5], $0x80, s21, s20, $0xb8;
	[tilespmem:$0x1BE80] =	vst v63  }
0x82: {  	s0 =	sadd.s32 s0, s10;
	_ =	swait.ge [sflag:s14], $0x4000  }
0x83: {  	s0 =	sshll.u32 s0, $0x5;
	[sflag:s14] =	ssyncset.done $0x0  }
0x84: {  	s1 =	sadd.s32 $0x1, s29;
	s0 =	sadd.s32 s5, s0;
	[sflag:s14] =	ssyncadd.s32 $0xFFFFC000  }
0x85: {  	[tilespmem:s16], [sflag:s1] =	stream.linear.gather [hbm4b:s0+s4], $0x80, $0x38;
	[tilespmem:$0x1BE80] =	vst v63  }
0x86: {  	s31 =	sor.u32 $0x100, s16;
	s0 =	sadd.s32 $0x10, s0  }
0x87: {  	[tilespmem:s31], [sflag:s1] =	stream.linear.gather [hbm4b:s0+s4], $0x80, $0x38;
	[tilespmem:$0x1BE80] =	vst v63  }
0x88: {  	_ =	swait.ge [sflag:s22], $0x100  }
0x89: {  	[sflag:s22] =	ssyncset.done $0x0  }
0x8a: {  	[sflag:s22] =	ssyncadd.s32 $0xFFFFFF00  }
0x8b: {  	_ =	swait.ge [sflag:s23], $0x4000  }
0x8c: {  	s24 =	sadd.s32 $0x1, s24;
	[sflag:s23] =	ssyncset.done $0x0  }
0x8d: {  	p0 =	sne.s32 s24, s12;
	[sflag:s23] =	ssyncadd.s32 $0xFFFFC000  }
.Ltmp1:
0x8e: {  	[bflag:$0x0] =	sbarrier.arrive $0xFFFF;
	(pc) =	sbr.rel @p0 .LBB2_1-.Ltmp1, $4  }
0x8f: {  	[hbm:s11], [sflag:s7] =	dma.local [spmem:s13], $0x2780  }
0x90: {  	_ =	swait.ge [sflag:s14], $0x2780  }
0x91: {  	[sflag:s14] =	ssyncset.done $0x0  }
0x92: {  	[sflag:s14] =	ssyncadd.s32 $0xFFFFD880  }
0x93: {  	_ =	sfence.sel $0x180000  }
0x94: {  	[bflag:$0x0] =	sbarrier.arrive $0xFFFF  }
0x95: {  	_ =	strace $0x90000047  }
0x96: {  	s0 =	stileid.u32;
	[bflag:$0x2] =	sbarrier.arrive $0xFFFF  }
0x97: {  	p0 =	sne.s32 s0, $0x0;
	s0 =	rddreg [dreg:$0x3]  }
0x98: {  	s0 =	sadd.s32 @!p0 $0x100000, s0  }
0x99: {  	[sflag:s0] =	ssyncadd.tile.s32 @!p0 $0x1;
	_ =	shalt  }
.Lfunc_end2:
_tile_overlayer_lowered:
.L_overlay_start_2:
0x9a: {  	(tag) =	ssettag $0x2  }
0x9b: {  	s0 =	rddreg [dreg:$0x0];
	s2 =	stileid.u32  }
0x9c: {  	s1 =	rddreg [dreg:$0x1];
	p0 =	sne.s32 s2, $0x0  }
0x9d: {  	s3 =	rddreg [dreg:$0x2];
	[bflag:$0x3] =	sbarrier.arrive $0xFFFF;
	s2 =	simm.s32 @!p0 $0x1C05  }
0x9e: {  	[timem:s3], [sflag:s2] =	dma.local @!p0 [hbm:s0], s1  }
0x9f: {  	s0 =	simm.s32 @!p0 $0x5  }
0xa0: {  	_ =	swait.ge @!p0 [sflag:s0], s1  }
0xa1: {  	s1 =	ssub.s32 @!p0 $0x0, s1;
	[sflag:s0] =	ssyncset.done @!p0 $0x0  }
0xa2: {  	[sflag:s0] =	ssyncadd.s32 @!p0 s1  }
0xa3: {  	[bflag:$0x3] =	sbarrier.arrive $0xFFFF  }
0xa4: {  	_ =	shalt  }

// kernel: kernel.14.cloned.1.call-start
scs
__scs_entry_jumppad:
0x0: {  	(pc) =	sbr.rel $0x88, $3  }
0x1: {  	(tag) =	ssettag $0x0;
	lr =	simm.s32 $0x1  }
0x2: {  	[smem:$0x3F95] =	sst lr;
	_ =	strace $0xD0000000  }
0x3: {  	_ = 	snop  }
0x4: {  	_ = 	snop  }
0x5: {  	_ = 	snop  }
0x6: {  	_ = 	snop  }
0x7: {  	_ = 	snop  }
__scs_overlays_trampoline_lowered:
0x8: {  	[smem:$0x3FA4] =	sst s0  }
0x9: {  	[smem:$0x3FA5] =	sst s1  }
0xa: {  	[smem:$0x3FA6] =	sst s2  }
0xb: {  	[smem:$0x3FA7] =	sst s3  }
0xc: {  	[smem:$0x3FA8] =	sst s4  }
0xd: {  	[smem:$0x3FA9] =	sst s5  }
0xe: {  	[smem:$0x3FAA] =	sst s6  }
0xf: {  	[smem:$0x3FAB] =	sst s7  }
0x10: {  	[smem:$0x3FAC] =	sst s8  }
0x11: {  	[smem:$0x3FAD] =	sst s9;
	s0 =	simm.s32 @!p0 $0x0  }
0x12: {  	s1 =	sld [smem:$0x3F93];
	s0 =	simm.s32 @p0 $0x1  }
0x13: {  	[smem:$0x3FAE] =	sst s0;
	s0 =	simm.s32 @!p1 $0x0  }
0x14: {  	s2 =	sld [smem:$0x3F92];
	s0 =	simm.s32 @p1 $0x1  }
0x15: {  	[smem:$0x3FAF] =	sst s0;
	s0 =	simm.s32 @!p2 $0x0  }
0x16: {  	s3 =	sld [smem:$0x3FDB];
	s0 =	simm.s32 @p2 $0x1  }
0x17: {  	s4 =	simm.s32 $0x1BF5;
	[smem:$0x3FB1] =	sst s0  }
0x18: {  	s0 =	sld [smem:$0x3F94];
	_ =	swait.ge [sflag:s4], $0x0  }
0x19: {  	s7 =	sld [smem:$0x3F95]  }
0x1a: {  	s8 =	sadd.s32 $0xFFFFE003, lr  }
0x1b: {  	s9 =	sadd.s32 $0xFFFFFEF7, lr;
	s5 =	simm.s32 $0xFFFFFFFF;
	p2 =	slt.u32 s8, $0xFFFFF086  }
0x1c: {  	p1 =	slt.u32 s9, $0xF7A;
	s5 =	simm.s32 @!p2 $0x0  }
0x1d: {  	s5 =	simm.s32 @p1 $0x1;
	p0 =	seq.s32 s7, s2  }
0x1e: {  	s7 =	smul.u32 @!p0 $0xF7A, s2;
	p2 =	seq.s32 @!p0 s5, $0x0  }
0x1f: {  	s9 =	smul.u32 $0xF7A, s1;
	s8 =	simm.s32 @!p0 $0x1BF5;
	p2 =	por !p2, p0  }
0x20: {  	[sflag:s8] =	ssyncset.s32 @!p0 $0xFFFFF086;
	s6 =	sadd.s32 @!p0 s3, s7;
	s7 =	simm.s32 @!p0 $0x108  }
0x21: {  	s3 =	sadd.s32 s3, s9;
	s6 =	sadd.s32 @!p0 $0x88, s6;
	s7 =	simm.s32 @p2 $0x1082  }
0x22: {  	[simem:s7], [sflag:s8] =	dma.local @!p0 [hbm:s6], $0xF7A  }
0x23: {  	s9 =	sor.u32 $0xD0000000, s2;
	s6 =	simm.s32 $0x108;
	_ =	swait.ge @!p0 [sflag:s8], $0x0  }
0x24: {  	s3 =	sadd.s32 $0x88, s3;
	s6 =	simm.s32 @!p1 $0x1082;
	[sflag:s4] =	ssyncset.s32 $0xFFFFF086  }
0x25: {  	[simem:s6], [sflag:s4] =	dma.local [hbm:s3], $0xF7A  }
0x26: {  	[smem:$0x3F95] =	sst s1;
	(tag) =	ssettag s2;
	_ =	strace s9  }
0x27: {  	s1 =	sld [smem:$0x3FA5]  }
0x28: {  	s2 =	sld [smem:$0x3FA6]  }
0x29: {  	s4 =	sld [smem:$0x3FA8]  }
0x2a: {  	p0 =	seq.s32 s5, $0x0;
	s5 =	sld [smem:$0x3FA9]  }
0x2b: {  	s6 =	sld [smem:$0x3FAA]  }
0x2c: {  	s7 =	sld [smem:$0x3FAB]  }
0x2d: {  	s3 =	simm.s32 $0x108;
	s8 =	sld [smem:$0x3FAC]  }
0x2e: {  	s3 =	simm.s32 @!p0 $0x1082;
	s9 =	sld [smem:$0x3FAD]  }
0x2f: {  	lr =	sadd.s32 s0, s3;
	s0 =	sld [smem:$0x3FA4]  }
0x30: {  	s3 =	sld [smem:$0x3FA7]  }
0x31: {  	[smem:$0x3FB0] =	sst s10  }
0x32: {  	s10 =	sld [smem:$0x3FAE];
	_ =	sdelay $0x3  }
0x33: {  	p0 =	seq.s32 s10, $0x1;
	s10 =	sld [smem:$0x3FB0];
	_ =	sdelay $0x3  }
0x34: {  	[smem:$0x3FB0] =	sst s10  }
0x35: {  	s10 =	sld [smem:$0x3FAF];
	_ =	sdelay $0x3  }
0x36: {  	p1 =	seq.s32 s10, $0x1;
	s10 =	sld [smem:$0x3FB0];
	_ =	sdelay $0x3  }
0x37: {  	[smem:$0x3FB0] =	sst s10  }
0x38: {  	s10 =	sld [smem:$0x3FB1]  }
0x39: {  	_ = 	snop;
	(pc) =	sbr.ind lr, $3  }
0x3a: {  	_ = 	snop  }
0x3b: {  	_ = 	snop  }
0x3c: {  	p2 =	seq.s32 s10, $0x1;
	s10 =	sld [smem:$0x3FB0]  }
0x3d: {  	_ =	shalt  }
0x3e: {  	_ =	shalt  }
0x3f: {  	_ =	shalt  }
0x40: {  	_ =	shalt  }
0x41: {  	_ =	shalt  }
0x42: {  	_ =	shalt  }
0x43: {  	_ =	shalt  }
0x44: {  	_ =	shalt  }
0x45: {  	_ =	shalt  }
0x46: {  	_ =	shalt  }
0x47: {  	_ =	shalt  }
0x48: {  	_ =	shalt  }
0x49: {  	_ =	shalt  }
0x4a: {  	_ =	shalt  }
0x4b: {  	_ =	shalt  }
0x4c: {  	_ =	shalt  }
0x4d: {  	_ =	shalt  }
0x4e: {  	_ =	shalt  }
0x4f: {  	_ =	shalt  }
0x50: {  	_ =	shalt  }
0x51: {  	_ =	shalt  }
0x52: {  	_ =	shalt  }
0x53: {  	_ =	shalt  }
0x54: {  	_ =	shalt  }
0x55: {  	_ =	shalt  }
0x56: {  	_ =	shalt  }
0x57: {  	_ =	shalt  }
0x58: {  	_ =	shalt  }
0x59: {  	_ =	shalt  }
0x5a: {  	_ =	shalt  }
0x5b: {  	_ =	shalt  }
0x5c: {  	_ =	shalt  }
0x5d: {  	_ =	shalt  }
0x5e: {  	_ =	shalt  }
0x5f: {  	_ =	shalt  }
0x60: {  	_ =	shalt  }
0x61: {  	_ =	shalt  }
0x62: {  	_ =	shalt  }
0x63: {  	_ =	shalt  }
0x64: {  	_ =	shalt  }
0x65: {  	_ =	shalt  }
0x66: {  	_ =	shalt  }
0x67: {  	_ =	shalt  }
0x68: {  	_ =	shalt  }
0x69: {  	_ =	shalt  }
0x6a: {  	_ =	shalt  }
0x6b: {  	_ =	shalt  }
0x6c: {  	_ =	shalt  }
0x6d: {  	_ =	shalt  }
0x6e: {  	_ =	shalt  }
0x6f: {  	_ =	shalt  }
0x70: {  	_ =	shalt  }
0x71: {  	_ =	shalt  }
0x72: {  	_ =	shalt  }
0x73: {  	_ =	shalt  }
0x74: {  	_ =	shalt  }
0x75: {  	_ =	shalt  }
0x76: {  	_ =	shalt  }
0x77: {  	_ =	shalt  }
0x78: {  	_ =	shalt  }
0x79: {  	_ =	shalt  }
0x7a: {  	_ =	shalt  }
0x7b: {  	_ =	shalt  }
0x7c: {  	_ =	shalt  }
0x7d: {  	_ =	shalt  }
0x7e: {  	_ =	shalt  }
0x7f: {  	_ =	shalt  }
0x80: {  	_ =	shalt  }
0x81: {  	_ =	shalt  }
0x82: {  	_ =	shalt  }
0x83: {  	_ =	shalt  }
0x84: {  	_ =	shalt  }
0x85: {  	_ =	shalt  }
0x86: {  	_ =	shalt  }
0x87: {  	_ =	shalt  }
.Lfunc_end0:
.L_simem_size_0:
called_computation.2_lowered:
.L_overlay_start_0:
0x88: {  	s2 =	sld [smem:$0x3FD9]  }
0x89: {  	s3 =	sld [smem:$0x3FFE];
	_ =	sdelay $0x1  }
0x8a: {  	s1 =	srdreg.scid  }
0x8b: {  	s0 =	sand.u32 $0x1, s1  }
0x8c: {  	s17 =	sshll.u32 s0, $0xA;
	s2 =	sadd.s32 s3, s2  }
0x8d: {  	s2 =	sadd.s32 s2, s17  }
0x8e: {  	[smem:$0x3FBC] =	sst s2  }
0x8f: {  	_ = 	snop  }
0x90: {  	s2 =	sld [smem:$0x3FD0];
	(tm) =	ssettm $0x1  }
0x91: {  	s18 =	sld [smem:$0x3FFB];
	_ =	sdelay $0x3  }
0x92: {  	_ =	strace s18  }
0x93: {  	s3 =	sld [smem:$0x3FFC];
	_ =	sdelay $0x3  }
0x94: {  	_ =	strace s3  }
0x95: {  	s3 =	sld [smem:$0x3FFD];
	_ =	sdelay $0x3  }
0x96: {  	_ =	strace s3  }
0x97: {  	_ =	strace $0x8FFFFFFF  }
0x98: {  	s19 =	sld [smem:$0x3FDB];
	_ =	sdelay $0x1  }
0x99: {  	s4 =	simm.s32 $_scs_section_size  }
0x9a: {  	s5 =	simm.s32 $_size__tile_overlayer_lowered;
	s6 =	simm.s32 $_tile_overlayer_lowered  }
0x9b: {  	s22 =	simm.s32 $0x1BFF;
	s21 =	sshll.u32 s6, $0x1;
	s3 =	sadd.s32 s4, s19  }
0x9c: {  	s7 =	simm.s32 $0x0;
	s20 =	sshll.u32 s5, $0x1;
	s5 =	sadd.s32 s21, s3  }
0x9d: {  	[timem:s7], [sflag:s22] =	dma.local [hbm:s5], s20  }
0x9e: {  	_ =	swait.ge [sflag:s22], s20  }
0x9f: {  	s4 =	ssub.s32 $0x0, s20;
	[sflag:s22] =	ssyncset.done $0x0  }
0xa0: {  	[sflag:s22] =	ssyncadd.s32 s4;
	_ =	sdelay $0x1  }
0xa1: {  	s23 =	simm.s32 $0x1B8B  }
0xa2: {  	_ =	swait.ge [sflag:s23], $0x1  }
0xa3: {  	[sflag:s23] =	ssyncset.done $0x0  }
0xa4: {  	s25 =	simm.s32 $0x1B8E;
	s24 =	sld [smem:$0x3FFE];
	[sflag:s23] =	ssyncadd.s32 $0xFFFFFFFF  }
0xa5: {  	s26 =	simm.s32 $execute0_lowered;
	[smem:$0x3FD2] =	sst s25  }
0xa6: {  	s5 =	sshll.u32 s26, $0x1;
	_ =	strace $0x8000004C;
	[dreg:$0x1] =	wrdreg $0xFFFFFFFF  }
0xa7: {  	s28 =	simm.s32 $_size_execute0_lowered;
	s3 =	sadd.s32 s3, s5;
	[dreg:$0x0] =	wrdreg $0x0  }
0xa8: {  	s5 =	sshll.u32 s28, $0x1;
	[dreg:$0x2] =	wrdreg s3  }
0xa9: {  	[dreg:$0x3] =	wrdreg s5  }
0xaa: {  	[dreg:$0x4] =	wrdreg $0xC0  }
0xab: {  	_ =	task [dreg:s7], $0x5FFFF  }
0xac: {  	[dreg:$0x1] =	wrdreg $0xFFFFFFFF  }
0xad: {  	[dreg:$0x0] =	wrdreg $0x60  }
0xae: {  	[dreg:$0x2] =	wrdreg s2  }
0xaf: {  	[dreg:$0x3] =	wrdreg s24  }
0xb0: {  	[dreg:$0x4] =	wrdreg $0x82800  }
0xb1: {  	[dreg:$0x5] =	wrdreg $0x9  }
0xb2: {  	_ =	task.clear_ibuf [dreg:s7], $0x6FFFF;
	_ =	strace $0x9000004C  }
0xb3: {  	s29 =	simm.s32 $0x9;
	_ =	strace $0x8000004E  }
0xb4: {  	_ =	swait.ge [sflag:s29], $0x1  }
0xb5: {  	[sflag:s29] =	ssyncadd.s32 $0xFFFFFFFF  }
0xb6: {  	_ =	strace $0x9000004E  }
0xb7: {  	_ =	sfence  }
0xb8: {  	s30 =	sld [smem:$0x0];
	_ =	sdelay $0x2  }
0xb9: {  	s31 =	sshll.u32 s1, $0xD;
	s1 =	sshrl.u32 s1, $0x2  }
0xba: {  	s3 =	sand.u32 $0x4000, s31;
	s1 =	sadd.s32 s1, s30  }
0xbb: {  	s0 =	sor.u32 s3, s0;
	s1 =	sshll.u32 s1, $0x11  }
0xbc: {  	s0 =	sor.u32 s1, s0  }
0xbd: {  	s0 =	sadd.s32 $0x8F2B, s0  }
0xbe: {  	[sflag:s0] =	ssyncadd.remote.s32 $0x1  }
0xbf: {  	_ =	sfence.sel $0xFFFF  }
0xc0: {  	[dreg:$0x0] =	wrdreg $0xFFFFFFFF;
	(pc) =	sbr.abs _section_cstart, $3  }
0xc1: {  	[dreg:$0x1] =	wrdreg $0xFFFFFFFF  }
0xc2: {  	_ =	task.clear_ibuf [dreg:s7], $0x2FFFF;
	_ =	strace $0x9FFFFFFF  }
0xc3: {  	(tm) =	ssettm $0x7FFFFFFF  }
tec
execute0_lowered:
.L_overlay_start_1:
0x0: {  	(tag) =	ssettag $0x1  }
0x1: {  	s2 =	rddreg [dreg:$0x0]  }
0x2: {  	s0 =	rddreg [dreg:$0x1]  }
0x3: {  	s3 =	rddreg [dreg:$0x2]  }
0x4: {  	s12 =	stileid.u32;
	s5 =	srdreg.scid;
	s4 =	simm.s32 $0x0  }
0x5: {  	s14 =	simm.s32 $0x5;
	s20 =	simm.s32 $0x80;
	s21 =	simm.s32 $0x200  }
0x6: {  	s22 =	simm.s32 $0x1;
	s1 =	smul.u32 $0x13C00, s12;
	s6 =	sand.u32 $0x1, s5  }
0x7: {  	[smem:$0x7FF] =	sst s4;
	s5 =	sadd.s32 $0x2C00, s0;
	s9 =	smul.u32 $0x4F000, s12  }
0x8: {  	s29 =	sshll.u32 s12, $0x6;
	s8 =	smul.u32 $0x13C000, s6;
	_ =	strace $0x8000004D  }
0x9: {  	s23 =	sshll.u32 s6, $0x4;
	s6 =	ssub.s32 $0x2, s6;
	s7 =	sshrl.u32 s1, $0x3  }
0xa: {  	s10 =	sshrl.u32 s6, $0x1;
	s9 =	sshrl.u32 s9, $0x2;
	s7 =	sadd.s32 s7, s0  }
0xb: {  	s1 =	sadd.s32 s1, s8;
	s8 =	sor.u32 s12, s23;
	s24 =	ssub.s32 s6, s10  }
0xc: {  	s13 =	sadd.s32 s9, s3;
	s23 =	simm.s32 $0x4;
	s11 =	smul.u32 $0x4F00, s8  }
0xd: {  	s1 =	sshrl.u32 s1, $0x3;
	s25 =	sadd.s32 $0x16800, s7;
	s26 =	smul.u32 $0x9E0, s8  }
0xe: {  	s30 =	smul.u32 $0x4F, s8;
	s7 =	sor.u32 $0x1C05, s29;
	s12 =	smax.u32 s24, $0x1  }
0xf: {  	s13 =	sshrl.u32 s13, $0x3;
	s24 =	simm.s32 $0x0;
	s28 =	sshrl.u32 s11, $0x3  }
0x10: {  	s0 =	sadd.s32 s1, s0;
	[dreg:$0x4] =	wrdreg s25;
	s31 =	sadd.s32 s5, s28  }
0x11: {  	s8 =	sadd.s32 s5, s26;
	s10 =	sadd.s32 $0x2, s30;
	s9 =	sadd.s32 $0x20, s31  }
0x12: {  	s11 =	sadd.s32 $0x3E000, s0;
	s15 =	sadd.s32 $0x10, s8;
	s18 =	sadd.s32 $0x10, s9  }
.LBB2_1:
0x13: {  	s0 =	rddreg [dreg:$0x4]  }
0x14: {  	[spmem:s13], [sflag:s7] =	dma.local [hbm:s0], $0x2780  }
0x15: {  	_ =	swait.ge [sflag:s14], $0x2780  }
0x16: {  	[sflag:s14] =	ssyncset.done $0x0  }
0x17: {  	[sflag:s14] =	ssyncadd.s32 $0xFFFFD880  }
0x18: {  	[bflag:$0x0] =	sbarrier.arrive $0xFFFF  }
0x19: {  	[tilespmem:s4], [sflag:$0x1] =	stream.linear.gather [hbm4b:s8+s4], $0x80, $0x38;
	[tilespmem:$0x1BE80] =	vst v63  }
0x1a: {  	s1 =	simm.s32 $0x100  }
0x1b: {  	[tilespmem:s1], [sflag:$0x1] =	stream.linear.gather [hbm4b:s15+s4], $0x80, $0x38;
	[tilespmem:$0x1BE80] =	vst v63  }
0x1c: {  	_ =	swait.ge [sflag:s22], $0x100  }
0x1d: {  	[sflag:s22] =	ssyncset.done $0x0  }
0x1e: {  	s6 =	simm.s32 $0x280;
	[sflag:s22] =	ssyncadd.s32 $0xFFFFFF00  }
0x1f: {  	[tilespmem:s6], [sflag:$0x3] =	stream.indirect.gather [hbm4b:s2+s20], $0x80, s4, s20, $0xb8;
	[tilespmem:$0x1BE80] =	vst v63  }
0x20: {  	s17 =	sand.u32 $0x1, s22  }
0x21: {  	[tilespmem:s20], [sflag:$0x2] =	stream.linear.gather [hbm4b:s9+s4], $0x80, $0x38;
	[tilespmem:$0x1BE80] =	vst v63  }
0x22: {  	s16 =	simm.s32 $0x180;
	s1 =	sadd.s32 $0x1, s17  }
0x23: {  	[tilespmem:s16], [sflag:$0x2] =	stream.linear.gather [hbm4b:s18+s4], $0x80, $0x38;
	[tilespmem:$0x1BE80] =	vst v63  }
0x24: {  	s25 =	sand.u32 $0x80, s20;
	s26 =	simm.s32 $0x0;
	_ =	swait.ge [sflag:s1], $0x100  }
0x25: {  	s0 =	sadd.s32 $0x3, s17;
	s16 =	sshll.u32 s17, $0xE;
	[sflag:s1] =	ssyncset.done $0x0  }
0x26: {  	s19 =	sor.u32 $0x280, s16;
	s16 =	sand.u32 $0x80, s26;
	[sflag:s1] =	ssyncadd.s32 $0xFFFFFF00  }
0x27: {  	[tilespmem:s19], [sflag:s0] =	stream.indirect.gather [hbm4b:s2+s20], $0x80, s25, s20, $0xb8;
	[tilespmem:$0x1BE80] =	vst v63  }
0x28: {  	v0 =	vld [tilespmem:s16+$0x100];
	_ =	sdelay $0x4  }
0x29: {  	[tilespmem:$0x200] =	vst v0  }
0x2a: {  	v0 =	vld [tilespmem:s16+$0x110];
	_ =	sdelay $0x4  }
0x2b: {  	[tilespmem:$0x210] =	vst v0  }
0x2c: {  	v0 =	vld [tilespmem:s16+$0x120];
	_ =	sdelay $0x4  }
0x2d: {  	[tilespmem:$0x220] =	vst v0  }
0x2e: {  	v0 =	vld [tilespmem:s16+$0x130];
	_ =	sdelay $0x4  }
0x2f: {  	[tilespmem:$0x230] =	vst v0  }
0x30: {  	v0 =	vld [tilespmem:s16+$0x140];
	_ =	sdelay $0x4  }
0x31: {  	[tilespmem:$0x240] =	vst v0  }
0x32: {  	v0 =	vld [tilespmem:s16+$0x150];
	_ =	sdelay $0x4  }
0x33: {  	[tilespmem:$0x250] =	vst v0  }
0x34: {  	v0 =	vld [tilespmem:s16+$0x160];
	_ =	sdelay $0x4  }
0x35: {  	[tilespmem:$0x260] =	vst v0  }
0x36: {  	v0 =	vld [tilespmem:s16+$0x170];
	_ =	sdelay $0x2  }
0x37: {  	s1 =	simm.s32 $0x0  }
0x38: {  	s6 =	sand.u32 $0x1, s1  }
0x39: {  	s17 =	sadd.s32 $0x3, s6;
	[tilespmem:$0x270] =	vst v0  }
0x3a: {  	s30 =	simm.s32 $0x3;
	_ =	swait.ge [sflag:s17], $0x4000  }
0x3b: {  	s31 =	sor.u32 $0x100, s16;
	s19 =	sshll.u32 s6, $0xE;
	[sflag:s17] =	ssyncset.done $0x0  }
0x3c: {  	s0 =	smin.u32 s1, $0x4C;
	s26 =	sor.u32 $0x280, s19;
	[sflag:s17] =	ssyncadd.s32 $0xFFFFC000  }
0x3d: {  	[spmem:s3] =	stream.indirect.scatter.add.f32 [tilespmem:s26], [sflag:$0x5], $0x80, s21, s20, $0xb8;
	[tilespmem:$0x1BE80] =	vst v63  }
0x3e: {  	s25 =	simm.s32 $0x2;
	s0 =	sadd.s32 s0, s10;
	_ =	swait.ge [sflag:s14], $0x4000  }
0x3f: {  	s29 =	sand.u32 $0x1, s25;
	s0 =	sshll.u32 s0, $0x5;
	[sflag:s14] =	ssyncset.done $0x0  }
0x40: {  	s1 =	sadd.s32 $0x1, s6;
	s0 =	sadd.s32 s5, s0;
	[sflag:s14] =	ssyncadd.s32 $0xFFFFC000  }
0x41: {  	[tilespmem:s16], [sflag:s1] =	stream.linear.gather [hbm4b:s0+s4], $0x80, $0x38;
	[tilespmem:$0x1BE80] =	vst v63  }
0x42: {  	s28 =	sshll.u32 s29, $0xE;
	s26 =	simm.s32 $0x100;
	s16 =	sadd.s32 $0x10, s0  }
.LBB2_2:
0x43: {  	[tilespmem:s31], [sflag:s1] =	stream.linear.gather [hbm4b:s16+s4], $0x80, $0x38;
	[tilespmem:$0x1BE80] =	vst v63  }
0x44: {  	s1 =	smov.u32 s30  }
0x45: {  	s0 =	sadd.s32 $0x1, s30;
	s31 =	sadd.s32 $0x1, s29;
	s16 =	sand.u32 $0x1, s1  }
0x46: {  	s29 =	sadd.s32 $0x3, s29;
	s17 =	sshll.u32 s16, $0xE;
	_ =	swait.ge [sflag:s31], $0x100  }
0x47: {  	s19 =	sand.u32 $0x80, s26;
	s6 =	sadd.s32 $0xFFFFFF80, s26;
	[sflag:s31] =	ssyncset.done $0x0  }
0x48: {  	s28 =	sor.u32 $0x280, s28;
	[sflag:s31] =	ssyncadd.s32 $0xFFFFFF00;
	s31 =	sand.u32 $0x80, s6  }
0x49: {  	[tilespmem:s28], [sflag:s29] =	stream.indirect.gather [hbm4b:s2+s20], $0x80, s19, s20, $0xb8;
	[tilespmem:$0x1BE80] =	vst v63  }
0x4a: {  	p0 =	sne.s32 s30, $0x4F;
	s29 =	smov.u32 s16;
	s28 =	smov.u32 s17;
	v0 =	vld [tilespmem:s31+$0x100]  }
0x4b: {  	_ =	sdelay $0x3  }
0x4c: {  	[tilespmem:$0x200] =	vst v0  }
0x4d: {  	v0 =	vld [tilespmem:s31+$0x110];
	_ =	sdelay $0x4  }
0x4e: {  	[tilespmem:$0x210] =	vst v0  }
0x4f: {  	v0 =	vld [tilespmem:s31+$0x120];
	_ =	sdelay $0x4  }
0x50: {  	[tilespmem:$0x220] =	vst v0  }
0x51: {  	v0 =	vld [tilespmem:s31+$0x130];
	_ =	sdelay $0x4  }
0x52: {  	[tilespmem:$0x230] =	vst v0  }
0x53: {  	v0 =	vld [tilespmem:s31+$0x140];
	_ =	sdelay $0x4  }
0x54: {  	[tilespmem:$0x240] =	vst v0  }
0x55: {  	v0 =	vld [tilespmem:s31+$0x150];
	_ =	sdelay $0x4  }
0x56: {  	[tilespmem:$0x250] =	vst v0  }
0x57: {  	v0 =	vld [tilespmem:s31+$0x160];
	_ =	sdelay $0x4  }
0x58: {  	[tilespmem:$0x260] =	vst v0  }
0x59: {  	v0 =	vld [tilespmem:s31+$0x170];
	_ =	sdelay $0x2  }
0x5a: {  	s6 =	sadd.s32 $0xFFFFFFFF, s25;
	s25 =	smov.u32 s1  }
0x5b: {  	s1 =	sand.u32 $0x1, s6;
	s6 =	smin.u32 s6, $0x4C  }
0x5c: {  	s16 =	sshll.u32 s1, $0xE;
	s17 =	sadd.s32 $0x3, s1;
	s6 =	sadd.s32 s6, s10;
	[tilespmem:$0x270] =	vst v0  }
0x5d: {  	s6 =	sshll.u32 s6, $0x5;
	_ =	swait.ge [sflag:s17], $0x4000  }
0x5e: {  	[sflag:s17] =	ssyncset.done $0x0  }
0x5f: {  	s16 =	sor.u32 $0x280, s16;
	[sflag:s17] =	ssyncadd.s32 $0xFFFFC000  }
0x60: {  	[spmem:s3] =	stream.indirect.scatter.add.f32 [tilespmem:s16], [sflag:$0x5], $0x80, s21, s20, $0xb8;
	[tilespmem:$0x1BE80] =	vst v63  }
.Ltmp0:
0x61: {  	_ =	swait.ge [sflag:s14], $0x4000;
	(pc) =	sbr.rel @p0 .LBB2_2-.Ltmp0, $4  }
0x62: {  	s26 =	sadd.s32 $0x80, s26;
	[sflag:s14] =	ssyncset.done $0x0  }
0x63: {  	s1 =	sadd.s32 $0x1, s1;
	s6 =	sadd.s32 s5, s6;
	[sflag:s14] =	ssyncadd.s32 $0xFFFFC000  }
0x64: {  	[tilespmem:s31], [sflag:s1] =	stream.linear.gather [hbm4b:s6+s4], $0x80, $0x38;
	[tilespmem:$0x1BE80] =	vst v63  }
0x65: {  	s30 =	smov.u32 s0;
	s16 =	sadd.s32 $0x10, s6;
	s31 =	sor.u32 $0x100, s31  }
0x66: {  	[tilespmem:s31], [sflag:s1] =	stream.linear.gather [hbm4b:s16+s4], $0x80, $0x38;
	[tilespmem:$0x1BE80] =	vst v63  }
0x67: {  	s0 =	sadd.s32 $0x1, s29  }
0x68: {  	s17 =	sadd.s32 $0x3, s29;
	_ =	swait.ge [sflag:s0], $0x100  }
0x69: {  	s6 =	sand.u32 $0x80, s26;
	s19 =	sadd.s32 $0xFFFFFF80, s26;
	[sflag:s0] =	ssyncset.done $0x0  }
0x6a: {  	s26 =	sor.u32 $0x280, s28;
	s16 =	sand.u32 $0x80, s19;
	[sflag:s0] =	ssyncadd.s32 $0xFFFFFF00  }
0x6b: {  	[tilespmem:s26], [sflag:s17] =	stream.indirect.gather [hbm4b:s2+s20], $0x80, s6, s20, $0xb8;
	[tilespmem:$0x1BE80] =	vst v63  }
0x6c: {  	v0 =	vld [tilespmem:s16+$0x100];
	_ =	sdelay $0x4  }
0x6d: {  	[tilespmem:$0x200] =	vst v0  }
0x6e: {  	v0 =	vld [tilespmem:s16+$0x110];
	_ =	sdelay $0x4  }
0x6f: {  	[tilespmem:$0x210] =	vst v0  }
0x70: {  	v0 =	vld [tilespmem:s16+$0x120];
	_ =	sdelay $0x4  }
0x71: {  	[tilespmem:$0x220] =	vst v0  }
0x72: {  	v0 =	vld [tilespmem:s16+$0x130];
	_ =	sdelay $0x4  }
0x73: {  	[tilespmem:$0x230] =	vst v0  }
0x74: {  	v0 =	vld [tilespmem:s16+$0x140];
	_ =	sdelay $0x4  }
0x75: {  	[tilespmem:$0x240] =	vst v0  }
0x76: {  	v0 =	vld [tilespmem:s16+$0x150];
	_ =	sdelay $0x4  }
0x77: {  	[tilespmem:$0x250] =	vst v0  }
0x78: {  	v0 =	vld [tilespmem:s16+$0x160];
	_ =	sdelay $0x4  }
0x79: {  	[tilespmem:$0x260] =	vst v0  }
0x7a: {  	v0 =	vld [tilespmem:s16+$0x170];
	_ =	sdelay $0x2  }
0x7b: {  	s28 =	sadd.s32 $0xFFFFFFFF, s25  }
0x7c: {  	s29 =	sand.u32 $0x1, s28  }
0x7d: {  	s30 =	sadd.s32 $0x3, s29;
	[tilespmem:$0x270] =	vst v0  }
0x7e: {  	_ =	swait.ge [sflag:s30], $0x4000  }
0x7f: {  	s17 =	sshll.u32 s29, $0xE;
	[sflag:s30] =	ssyncset.done $0x0  }
0x80: {  	s0 =	smin.u32 s28, $0x4C;
	s17 =	sor.u32 $0x280, s17;
	[sflag:s30] =	ssyncadd.s32 $0xFFFFC000  }
0x81: {  	[spmem:s3] =	stream.indirect.scatter.add.f32 [tilespmem:s17], [sflag:$0x5], $0x80, s21, s20, $0xb8;
	[tilespmem:$0x1BE80] =	vst v63  }
0x82: {  	s0 =	sadd.s32 s0, s10;
	_ =	swait.ge [sflag:s14], $0x4000  }
0x83: {  	s0 =	sshll.u32 s0, $0x5;
	[sflag:s14] =	ssyncset.done $0x0  }
0x84: {  	s1 =	sadd.s32 $0x1, s29;
	s0 =	sadd.s32 s5, s0;
	[sflag:s14] =	ssyncadd.s32 $0xFFFFC000  }
0x85: {  	[tilespmem:s16], [sflag:s1] =	stream.linear.gather [hbm4b:s0+s4], $0x80, $0x38;
	[tilespmem:$0x1BE80] =	vst v63  }
0x86: {  	s31 =	sor.u32 $0x100, s16;
	s0 =	sadd.s32 $0x10, s0  }
0x87: {  	[tilespmem:s31], [sflag:s1] =	stream.linear.gather [hbm4b:s0+s4], $0x80, $0x38;
	[tilespmem:$0x1BE80] =	vst v63  }
0x88: {  	_ =	swait.ge [sflag:s22], $0x100  }
0x89: {  	[sflag:s22] =	ssyncset.done $0x0  }
0x8a: {  	[sflag:s22] =	ssyncadd.s32 $0xFFFFFF00  }
0x8b: {  	_ =	swait.ge [sflag:s23], $0x4000  }
0x8c: {  	s24 =	sadd.s32 $0x1, s24;
	[sflag:s23] =	ssyncset.done $0x0  }
0x8d: {  	p0 =	sne.s32 s24, s12;
	[sflag:s23] =	ssyncadd.s32 $0xFFFFC000  }
.Ltmp1:
0x8e: {  	[bflag:$0x0] =	sbarrier.arrive $0xFFFF;
	(pc) =	sbr.rel @p0 .LBB2_1-.Ltmp1, $4  }
0x8f: {  	[hbm:s11], [sflag:s7] =	dma.local [spmem:s13], $0x2780  }
0x90: {  	_ =	swait.ge [sflag:s14], $0x2780  }
0x91: {  	[sflag:s14] =	ssyncset.done $0x0  }
0x92: {  	[sflag:s14] =	ssyncadd.s32 $0xFFFFD880  }
0x93: {  	_ =	sfence.sel $0x180000  }
0x94: {  	[bflag:$0x0] =	sbarrier.arrive $0xFFFF  }
0x95: {  	_ =	strace $0x9000004D  }
0x96: {  	s0 =	stileid.u32;
	[bflag:$0x2] =	sbarrier.arrive $0xFFFF  }
0x97: {  	p0 =	sne.s32 s0, $0x0;
	s0 =	rddreg [dreg:$0x3]  }
0x98: {  	s0 =	sadd.s32 @!p0 $0x100000, s0  }
0x99: {  	[sflag:s0] =	ssyncadd.tile.s32 @!p0 $0x1;
	_ =	shalt  }
.Lfunc_end2:
_tile_overlayer_lowered:
.L_overlay_start_2:
0x9a: {  	(tag) =	ssettag $0x2  }
0x9b: {  	s0 =	rddreg [dreg:$0x0];
	s2 =	stileid.u32  }
0x9c: {  	s1 =	rddreg [dreg:$0x1];
	p0 =	sne.s32 s2, $0x0  }
0x9d: {  	s3 =	rddreg [dreg:$0x2];
	[bflag:$0x3] =	sbarrier.arrive $0xFFFF;
	s2 =	simm.s32 @!p0 $0x1C05  }
0x9e: {  	[timem:s3], [sflag:s2] =	dma.local @!p0 [hbm:s0], s1  }
0x9f: {  	s0 =	simm.s32 @!p0 $0x5  }
0xa0: {  	_ =	swait.ge @!p0 [sflag:s0], s1  }
0xa1: {  	s1 =	ssub.s32 @!p0 $0x0, s1;
	[sflag:s0] =	ssyncset.done @!p0 $0x0  }
0xa2: {  	[sflag:s0] =	ssyncadd.s32 @!p0 s1  }
0xa3: {  	[bflag:$0x3] =	sbarrier.arrive $0xFFFF  }
0xa4: {  	_ =	shalt  }

// kernel: kernel.8.cloned.1.call-start
scs
__scs_entry_jumppad:
0x0: {  	(pc) =	sbr.rel $0x88, $3  }
0x1: {  	(tag) =	ssettag $0x0;
	lr =	simm.s32 $0x1  }
0x2: {  	[smem:$0x3F95] =	sst lr;
	_ =	strace $0xD0000000  }
0x3: {  	_ = 	snop  }
0x4: {  	_ = 	snop  }
0x5: {  	_ = 	snop  }
0x6: {  	_ = 	snop  }
0x7: {  	_ = 	snop  }
__scs_overlays_trampoline_lowered:
0x8: {  	[smem:$0x3FA4] =	sst s0  }
0x9: {  	[smem:$0x3FA5] =	sst s1  }
0xa: {  	[smem:$0x3FA6] =	sst s2  }
0xb: {  	[smem:$0x3FA7] =	sst s3  }
0xc: {  	[smem:$0x3FA8] =	sst s4  }
0xd: {  	[smem:$0x3FA9] =	sst s5  }
0xe: {  	[smem:$0x3FAA] =	sst s6  }
0xf: {  	[smem:$0x3FAB] =	sst s7  }
0x10: {  	[smem:$0x3FAC] =	sst s8  }
0x11: {  	[smem:$0x3FAD] =	sst s9;
	s0 =	simm.s32 @!p0 $0x0  }
0x12: {  	s1 =	sld [smem:$0x3F93];
	s0 =	simm.s32 @p0 $0x1  }
0x13: {  	[smem:$0x3FAE] =	sst s0;
	s0 =	simm.s32 @!p1 $0x0  }
0x14: {  	s2 =	sld [smem:$0x3F92];
	s0 =	simm.s32 @p1 $0x1  }
0x15: {  	[smem:$0x3FAF] =	sst s0;
	s0 =	simm.s32 @!p2 $0x0  }
0x16: {  	s3 =	sld [smem:$0x3FDB];
	s0 =	simm.s32 @p2 $0x1  }
0x17: {  	s4 =	simm.s32 $0x1BF5;
	[smem:$0x3FB1] =	sst s0  }
0x18: {  	s0 =	sld [smem:$0x3F94];
	_ =	swait.ge [sflag:s4], $0x0  }
0x19: {  	s7 =	sld [smem:$0x3F95]  }
0x1a: {  	s8 =	sadd.s32 $0xFFFFE003, lr  }
0x1b: {  	s9 =	sadd.s32 $0xFFFFFEF7, lr;
	s5 =	simm.s32 $0xFFFFFFFF;
	p2 =	slt.u32 s8, $0xFFFFF086  }
0x1c: {  	p1 =	slt.u32 s9, $0xF7A;
	s5 =	simm.s32 @!p2 $0x0  }
0x1d: {  	s5 =	simm.s32 @p1 $0x1;
	p0 =	seq.s32 s7, s2  }
0x1e: {  	s7 =	smul.u32 @!p0 $0xF7A, s2;
	p2 =	seq.s32 @!p0 s5, $0x0  }
0x1f: {  	s9 =	smul.u32 $0xF7A, s1;
	s8 =	simm.s32 @!p0 $0x1BF5;
	p2 =	por !p2, p0  }
0x20: {  	[sflag:s8] =	ssyncset.s32 @!p0 $0xFFFFF086;
	s6 =	sadd.s32 @!p0 s3, s7;
	s7 =	simm.s32 @!p0 $0x108  }
0x21: {  	s3 =	sadd.s32 s3, s9;
	s6 =	sadd.s32 @!p0 $0x88, s6;
	s7 =	simm.s32 @p2 $0x1082  }
0x22: {  	[simem:s7], [sflag:s8] =	dma.local @!p0 [hbm:s6], $0xF7A  }
0x23: {  	s9 =	sor.u32 $0xD0000000, s2;
	s6 =	simm.s32 $0x108;
	_ =	swait.ge @!p0 [sflag:s8], $0x0  }
0x24: {  	s3 =	sadd.s32 $0x88, s3;
	s6 =	simm.s32 @!p1 $0x1082;
	[sflag:s4] =	ssyncset.s32 $0xFFFFF086  }
0x25: {  	[simem:s6], [sflag:s4] =	dma.local [hbm:s3], $0xF7A  }
0x26: {  	[smem:$0x3F95] =	sst s1;
	(tag) =	ssettag s2;
	_ =	strace s9  }
0x27: {  	s1 =	sld [smem:$0x3FA5]  }
0x28: {  	s2 =	sld [smem:$0x3FA6]  }
0x29: {  	s4 =	sld [smem:$0x3FA8]  }
0x2a: {  	p0 =	seq.s32 s5, $0x0;
	s5 =	sld [smem:$0x3FA9]  }
0x2b: {  	s6 =	sld [smem:$0x3FAA]  }
0x2c: {  	s7 =	sld [smem:$0x3FAB]  }
0x2d: {  	s3 =	simm.s32 $0x108;
	s8 =	sld [smem:$0x3FAC]  }
0x2e: {  	s3 =	simm.s32 @!p0 $0x1082;
	s9 =	sld [smem:$0x3FAD]  }
0x2f: {  	lr =	sadd.s32 s0, s3;
	s0 =	sld [smem:$0x3FA4]  }
0x30: {  	s3 =	sld [smem:$0x3FA7]  }
0x31: {  	[smem:$0x3FB0] =	sst s10  }
0x32: {  	s10 =	sld [smem:$0x3FAE];
	_ =	sdelay $0x3  }
0x33: {  	p0 =	seq.s32 s10, $0x1;
	s10 =	sld [smem:$0x3FB0];
	_ =	sdelay $0x3  }
0x34: {  	[smem:$0x3FB0] =	sst s10  }
0x35: {  	s10 =	sld [smem:$0x3FAF];
	_ =	sdelay $0x3  }
0x36: {  	p1 =	seq.s32 s10, $0x1;
	s10 =	sld [smem:$0x3FB0];
	_ =	sdelay $0x3  }
0x37: {  	[smem:$0x3FB0] =	sst s10  }
0x38: {  	s10 =	sld [smem:$0x3FB1]  }
0x39: {  	_ = 	snop;
	(pc) =	sbr.ind lr, $3  }
0x3a: {  	_ = 	snop  }
0x3b: {  	_ = 	snop  }
0x3c: {  	p2 =	seq.s32 s10, $0x1;
	s10 =	sld [smem:$0x3FB0]  }
0x3d: {  	_ =	shalt  }
0x3e: {  	_ =	shalt  }
0x3f: {  	_ =	shalt  }
0x40: {  	_ =	shalt  }
0x41: {  	_ =	shalt  }
0x42: {  	_ =	shalt  }
0x43: {  	_ =	shalt  }
0x44: {  	_ =	shalt  }
0x45: {  	_ =	shalt  }
0x46: {  	_ =	shalt  }
0x47: {  	_ =	shalt  }
0x48: {  	_ =	shalt  }
0x49: {  	_ =	shalt  }
0x4a: {  	_ =	shalt  }
0x4b: {  	_ =	shalt  }
0x4c: {  	_ =	shalt  }
0x4d: {  	_ =	shalt  }
0x4e: {  	_ =	shalt  }
0x4f: {  	_ =	shalt  }
0x50: {  	_ =	shalt  }
0x51: {  	_ =	shalt  }
0x52: {  	_ =	shalt  }
0x53: {  	_ =	shalt  }
0x54: {  	_ =	shalt  }
0x55: {  	_ =	shalt  }
0x56: {  	_ =	shalt  }
0x57: {  	_ =	shalt  }
0x58: {  	_ =	shalt  }
0x59: {  	_ =	shalt  }
0x5a: {  	_ =	shalt  }
0x5b: {  	_ =	shalt  }
0x5c: {  	_ =	shalt  }
0x5d: {  	_ =	shalt  }
0x5e: {  	_ =	shalt  }
0x5f: {  	_ =	shalt  }
0x60: {  	_ =	shalt  }
0x61: {  	_ =	shalt  }
0x62: {  	_ =	shalt  }
0x63: {  	_ =	shalt  }
0x64: {  	_ =	shalt  }
0x65: {  	_ =	shalt  }
0x66: {  	_ =	shalt  }
0x67: {  	_ =	shalt  }
0x68: {  	_ =	shalt  }
0x69: {  	_ =	shalt  }
0x6a: {  	_ =	shalt  }
0x6b: {  	_ =	shalt  }
0x6c: {  	_ =	shalt  }
0x6d: {  	_ =	shalt  }
0x6e: {  	_ =	shalt  }
0x6f: {  	_ =	shalt  }
0x70: {  	_ =	shalt  }
0x71: {  	_ =	shalt  }
0x72: {  	_ =	shalt  }
0x73: {  	_ =	shalt  }
0x74: {  	_ =	shalt  }
0x75: {  	_ =	shalt  }
0x76: {  	_ =	shalt  }
0x77: {  	_ =	shalt  }
0x78: {  	_ =	shalt  }
0x79: {  	_ =	shalt  }
0x7a: {  	_ =	shalt  }
0x7b: {  	_ =	shalt  }
0x7c: {  	_ =	shalt  }
0x7d: {  	_ =	shalt  }
0x7e: {  	_ =	shalt  }
0x7f: {  	_ =	shalt  }
0x80: {  	_ =	shalt  }
0x81: {  	_ =	shalt  }
0x82: {  	_ =	shalt  }
0x83: {  	_ =	shalt  }
0x84: {  	_ =	shalt  }
0x85: {  	_ =	shalt  }
0x86: {  	_ =	shalt  }
0x87: {  	_ =	shalt  }
.Lfunc_end0:
.L_simem_size_0:
called_computation_lowered:
.L_overlay_start_0:
0x88: {  	s2 =	sld [smem:$0x3FD9]  }
0x89: {  	s3 =	sld [smem:$0x3FFE];
	_ =	sdelay $0x1  }
0x8a: {  	s1 =	srdreg.scid  }
0x8b: {  	s0 =	sand.u32 $0x1, s1  }
0x8c: {  	s17 =	sshll.u32 s0, $0xA;
	s2 =	sadd.s32 s3, s2  }
0x8d: {  	s2 =	sadd.s32 s2, s17  }
0x8e: {  	[smem:$0x3FBC] =	sst s2  }
0x8f: {  	_ = 	snop  }
0x90: {  	(tm) =	ssettm $0x1  }
0x91: {  	s18 =	sld [smem:$0x3FFB];
	_ =	sdelay $0x3  }
0x92: {  	_ =	strace s18  }
0x93: {  	s2 =	sld [smem:$0x3FFC];
	_ =	sdelay $0x3  }
0x94: {  	_ =	strace s2  }
0x95: {  	s2 =	sld [smem:$0x3FFD];
	_ =	sdelay $0x3  }
0x96: {  	_ =	strace s2  }
0x97: {  	_ =	strace $0x8FFFFFFF  }
0x98: {  	s19 =	sld [smem:$0x3FDB];
	_ =	sdelay $0x1  }
0x99: {  	s20 =	simm.s32 $_scs_section_size  }
0x9a: {  	s4 =	simm.s32 $_size__tile_overlayer_lowered;
	s5 =	simm.s32 $_tile_overlayer_lowered  }
0x9b: {  	s6 =	simm.s32 $0x1BFF;
	s21 =	sshll.u32 s5, $0x1;
	s3 =	sadd.s32 s20, s19  }
0x9c: {  	s22 =	simm.s32 $0x0;
	s4 =	sshll.u32 s4, $0x1;
	s5 =	sadd.s32 s21, s3  }
0x9d: {  	[timem:s22], [sflag:s6] =	dma.local [hbm:s5], s4  }
0x9e: {  	_ =	swait.ge [sflag:s6], s4  }
0x9f: {  	s4 =	ssub.s32 $0x0, s4;
	[sflag:s6] =	ssyncset.done $0x0  }
0xa0: {  	[sflag:s6] =	ssyncadd.s32 s4;
	_ =	sdelay $0x1  }
0xa1: {  	s23 =	simm.s32 $0x1B8B  }
0xa2: {  	_ =	swait.ge [sflag:s23], $0x1  }
0xa3: {  	[sflag:s23] =	ssyncset.done $0x0  }
0xa4: {  	[sflag:s23] =	ssyncadd.s32 $0xFFFFFFFF  }
0xa5: {  	s4 =	sld [smem:$0x0]  }
0xa6: {  	s5 =	sand.u32 $0xFFFFFFFE, s1  }
0xa7: {  	p0 =	sne.s32 s1, s5  }
0xa8: {  	s5 =	sshll.u32 @p0 s5, $0xE  }
0xa9: {  	s5 =	sadd.s32 @p0 $0x11B8D, s5;
	s6 =	sshll.u32 @p0 s4, $0x11  }
0xaa: {  	s5 =	sor.u32 @p0 s6, s5  }
0xab: {  	[sflag:s5] =	ssyncadd.remote.s32 @p0 $0x1;
	_ =	sdelay $0x1  }
0xac: {  	s5 =	simm.s32 @p0 $0x1B8D  }
0xad: {  	_ =	swait.eq @p0 [sflag:s5], $0x1  }
0xae: {  	[sflag:s5] =	ssyncadd.s32 @p0 $0xFFFFFFFF  }
0xaf: {  	s6 =	sshll.u32 @!p0 s1, $0xE  }
0xb0: {  	s6 =	sor.u32 @!p0 $0x4000, s6;
	s5 =	simm.s32 @!p0 $0x1B8D  }
0xb1: {  	s4 =	sshll.u32 @!p0 s4, $0x11;
	s6 =	sadd.s32 @!p0 $0x11B8D, s6;
	_ =	swait.eq @!p0 [sflag:s5], $0x1  }
0xb2: {  	s4 =	sor.u32 @!p0 s4, s6;
	[sflag:s5] =	ssyncadd.s32 @!p0 $0xFFFFFFFF  }
0xb3: {  	s25 =	simm.s32 $0x1B8E;
	s24 =	sld [smem:$0x3FFE];
	[sflag:s4] =	ssyncadd.remote.s32 @!p0 $0x1  }
0xb4: {  	s26 =	simm.s32 $execute0_lowered;
	[smem:$0x3FD2] =	sst s25  }
0xb5: {  	s5 =	sshll.u32 s26, $0x1;
	_ =	strace $0x80000049;
	[dreg:$0x1] =	wrdreg $0xFFFFFFFF  }
0xb6: {  	s28 =	simm.s32 $_size_execute0_lowered;
	s3 =	sadd.s32 s3, s5;
	[dreg:$0x0] =	wrdreg $0x0  }
0xb7: {  	s5 =	sshll.u32 s28, $0x1;
	[dreg:$0x2] =	wrdreg s3  }
0xb8: {  	[dreg:$0x3] =	wrdreg s5  }
0xb9: {  	[dreg:$0x4] =	wrdreg $0xC0  }
0xba: {  	_ =	task [dreg:s22], $0x5FFFF  }
0xbb: {  	[dreg:$0x1] =	wrdreg $0xFFFFFFFF  }
0xbc: {  	[dreg:$0x0] =	wrdreg $0x60  }
0xbd: {  	[dreg:$0x2] =	wrdreg s24  }
0xbe: {  	[dreg:$0x3] =	wrdreg $0x42000  }
0xbf: {  	[dreg:$0x4] =	wrdreg $0x9  }
0xc0: {  	_ =	task.clear_ibuf [dreg:s22], $0x5FFFF;
	_ =	strace $0x90000049  }
0xc1: {  	s29 =	simm.s32 $0x9;
	_ =	strace $0x8000004B  }
0xc2: {  	_ =	swait.ge [sflag:s29], $0x1  }
0xc3: {  	[sflag:s29] =	ssyncadd.s32 $0xFFFFFFFF  }
0xc4: {  	_ =	strace $0x9000004B  }
0xc5: {  	_ =	sfence  }
0xc6: {  	s30 =	sld [smem:$0x0];
	_ =	sdelay $0x2  }
0xc7: {  	s31 =	sshll.u32 s1, $0xD;
	s1 =	sshrl.u32 s1, $0x2  }
0xc8: {  	s4 =	sand.u32 $0x4000, s31;
	s1 =	sadd.s32 s1, s30  }
0xc9: {  	s0 =	sor.u32 s4, s0;
	s1 =	sshll.u32 s1, $0x11  }
0xca: {  	s0 =	sor.u32 s1, s0  }
0xcb: {  	s0 =	sadd.s32 $0x8F2B, s0  }
0xcc: {  	[sflag:s0] =	ssyncadd.remote.s32 $0x1  }
0xcd: {  	_ =	sfence.sel $0xFFFF  }
0xce: {  	[dreg:$0x0] =	wrdreg $0xFFFFFFFF;
	(pc) =	sbr.abs _section_cstart, $3  }
0xcf: {  	[dreg:$0x1] =	wrdreg $0xFFFFFFFF  }
0xd0: {  	_ =	task.clear_ibuf [dreg:s22], $0x2FFFF;
	_ =	strace $0x9FFFFFFF  }
0xd1: {  	(tm) =	ssettm $0x7FFFFFFF  }
tec
execute0_lowered:
.L_overlay_start_1:
0x0: {  	(tag) =	ssettag $0x1  }
0x1: {  	s6 =	rddreg [dreg:$0x0];
	s0 =	stileid.u32  }
0x2: {  	s1 =	srdreg.scid;
	s2 =	rddreg [dreg:$0x1];
	s3 =	simm.s32 $0x0  }
0x3: {  	s14 =	simm.s32 $0x200;
	s15 =	simm.s32 $0x2;
	s16 =	simm.s32 $0x4  }
0x4: {  	s17 =	simm.s32 $0x3;
	s18 =	simm.s32 $0x0;
	s4 =	smul.u32 $0x13C00, s0  }
0x5: {  	s5 =	sand.u32 $0x1, s1;
	s1 =	rddreg [dreg:$0x2];
	s9 =	smul.u32 $0x4F000, s0  }
0x6: {  	[smem:$0x7FF] =	sst s3;
	s31 =	sshll.u32 s0, $0x6;
	s7 =	smul.u32 $0x13C000, s5  }
0x7: {  	_ =	strace $0x8000004A;
	s28 =	ssub.s32 $0x2, s5;
	s5 =	sshll.u32 s5, $0x4  }
0x8: {  	s8 =	sshrl.u32 s4, $0x3;
	s11 =	sshrl.u32 s28, $0x1;
	s12 =	sor.u32 s0, s5  }
0x9: {  	s29 =	sshrl.u32 s9, $0x2;
	s8 =	sadd.s32 s8, s6;
	s7 =	sadd.s32 s4, s7  }
0xa: {  	s4 =	sadd.s32 $0x8D000, s6;
	s11 =	ssub.s32 s28, s11;
	s30 =	smul.u32 $0x9E0, s12  }
0xb: {  	s13 =	sadd.s32 s29, s2;
	s9 =	smul.u32 $0x4F, s12;
	s7 =	sshrl.u32 s7, $0x3  }
0xc: {  	s5 =	sadd.s32 $0x16800, s8;
	s11 =	smax.u32 s11, $0x1;
	s12 =	sshrl.u32 s13, $0x3  }
0xd: {  	s13 =	simm.s32 $0x5;
	s10 =	sadd.s32 s7, s6;
	s6 =	sadd.s32 $0x2C10, s6  }
0xe: {  	s7 =	sor.u32 $0x1C05, s31;
	s8 =	sadd.s32 s30, s6;
	s10 =	sadd.s32 $0x8D800, s10  }
.LBB2_1:
0xf: {  	[spmem:s12], [sflag:s7] =	dma.local [hbm:s5], $0x2780  }
0x10: {  	_ =	swait.ge [sflag:s13], $0x2780  }
0x11: {  	[sflag:s13] =	ssyncset.done $0x0  }
0x12: {  	[sflag:s13] =	ssyncadd.s32 $0xFFFFD880  }
0x13: {  	[tilespmem:s14], [sflag:$0x5] =	stream.linear.gather [hbm4b:s4+s3], $0x4000, $0x38;
	[tilespmem:$0x17E00] =	vst v63  }
0x14: {  	_ =	swait.ge [sflag:s13], $0x4000  }
0x15: {  	s19 =	simm.s32 $0x1;
	s21 =	sand.u32 $0x1, s3;
	[sflag:s13] =	ssyncset.done $0x0  }
0x16: {  	p0 =	por $0x1, $0x1;
	s20 =	smin.u32 s19, $0x4E;
	[sflag:s13] =	ssyncadd.s32 $0xFFFFC000  }
0x17: {  	s22 =	sand.u32 $0x1, s19;
	s23 =	sadd.s32 $0x1, s21;
	[bflag:$0x0] =	sbarrier.arrive $0xFFFF  }
0x18: {  	[tilespmem:s3], [sflag:$0x1] =	stream.linear.gather [hbm4b:s8+s3], $0x80, $0x38;
	[tilespmem:$0x17E00] =	vst v63  }
0x19: {  	s20 =	sadd.s32 s9, s20;
	s24 =	sshll.u32 s22, $0x7;
	_ =	swait.ge [sflag:s23], $0x80  }
0x1a: {  	s22 =	sadd.s32 $0x1, s22;
	s20 =	sshll.u32 s20, $0x5;
	[sflag:s23] =	ssyncset.done $0x0  }
0x1b: {  	s20 =	sadd.s32 s20, s6;
	[sflag:s23] =	ssyncadd.s32 $0xFFFFFF80;
	s23 =	sadd.s32 @!p0 $0x3, s21  }
0x1c: {  	[tilespmem:s24], [sflag:s22] =	stream.linear.gather [hbm4b:s20+s3], $0x80, $0x38;
	[tilespmem:$0x17E00] =	vst v63  }
0x1d: {  	_ =	swait.ge @!p0 [sflag:s23], $0x4000  }
0x1e: {  	[sflag:s23] =	ssyncset.done @!p0 $0x0  }
0x1f: {  	[sflag:s23] =	ssyncadd.s32 @!p0 $0xFFFFC000;
	p0 =	seq.s32 s21, $0x1  }
0x20: {  	v2 =	vld @p0 [tilespmem:$0xF0]  }
0x21: {  	v5 =	vld @p0 [tilespmem:$0xE0]  }
0x22: {  	v4 =	vld @p0 [tilespmem:$0xD0]  }
0x23: {  	v3 =	vld @p0 [tilespmem:$0x90]  }
0x24: {  	v1 =	vld @p0 [tilespmem:$0xC0]  }
0x25: {  	v0 =	vld @p0 [tilespmem:$0xA0];
	[tilespmem:$0x1F0] =	vst @p0 v2  }
0x26: {  	v2 =	vld @p0 [tilespmem:$0xB0];
	[tilespmem:$0x1E0] =	vst @p0 v5  }
.LBB2_2:
0x27: {  	v5 =	vld @p0 [tilespmem:$0x80];
	[tilespmem:$0x1D0] =	vst @p0 v4;
	s20 =	smov.u32 s19;
	s19 =	sadd.s32 $0x1, s19  }
0x28: {  	s21 =	sand.u32 $0x1, s19;
	s22 =	smin.u32 s19, $0x4E;
	p1 =	sne.s32 s19, $0x4F;
	[tilespmem:$0x190] =	vst @p0 v3  }
0x29: {  	s23 =	simm.s32 @p0 $0x80;
	s22 =	sadd.s32 s9, s22;
	[tilespmem:$0x1C0] =	vst @p0 v1  }
0x2a: {  	s22 =	sshll.u32 s22, $0x5;
	[tilespmem:$0x1A0] =	vst @p0 v0  }
0x2b: {  	[tilespmem:$0x1B0] =	vst @p0 v2  }
0x2c: {  	s24 =	simm.s32 @p0 $0x180;
	s25 =	simm.s32 @p0 $0x200;
	[tilespmem:$0x180] =	vst @p0 v5  }
0x2d: {  	[spmem:s2] =	stream.indirect.scatter.add.f32 @p0 [tilespmem:s25], [sflag:$0x4], $0x80, s24, s23, $0xb8;
	[tilespmem:$0x17E00] =	vst v63  }
0x2e: {  	v0 =	vld @!p0 [tilespmem:$0x70]  }
0x2f: {  	v1 =	vld @!p0 [tilespmem:$0x60]  }
0x30: {  	v2 =	vld @!p0 [tilespmem:$0x30]  }
0x31: {  	v3 =	vld @!p0 [tilespmem:$0x40]  }
0x32: {  	v4 =	vld @!p0 [tilespmem:$0x0]  }
0x33: {  	v5 =	vld @!p0 [tilespmem:$0x50];
	[tilespmem:$0x170] =	vst @!p0 v0  }
0x34: {  	v0 =	vld @!p0 [tilespmem:$0x20];
	[tilespmem:$0x160] =	vst @!p0 v1  }
0x35: {  	v1 =	vld @!p0 [tilespmem:$0x10];
	[tilespmem:$0x130] =	vst @!p0 v2  }
0x36: {  	[tilespmem:$0x140] =	vst @!p0 v3  }
0x37: {  	[tilespmem:$0x100] =	vst @!p0 v4  }
0x38: {  	s23 =	simm.s32 @!p0 $0x200;
	[tilespmem:$0x150] =	vst @!p0 v5  }
0x39: {  	s26 =	simm.s32 @!p0 $0x100;
	s24 =	sand.u32 $0x1, s20;
	s25 =	simm.s32 @!p0 $0x80;
	[tilespmem:$0x120] =	vst @!p0 v0  }
0x3a: {  	s28 =	sadd.s32 $0x1, s24;
	[tilespmem:$0x110] =	vst @!p0 v1  }
0x3b: {  	[spmem:s2] =	stream.indirect.scatter.add.f32 @!p0 [tilespmem:s23], [sflag:$0x3], $0x80, s26, s25, $0xb8;
	[tilespmem:$0x17E00] =	vst v63  }
0x3c: {  	p0 =	slt.u32 s20, $0x2;
	_ =	swait.ge [sflag:s28], $0x80  }
0x3d: {  	s20 =	sshll.u32 s21, $0x7;
	s21 =	sadd.s32 $0x1, s21;
	[sflag:s28] =	ssyncset.done $0x0  }
0x3e: {  	s22 =	sadd.s32 s22, s6;
	s23 =	sadd.s32 @!p0 $0x3, s24;
	[sflag:s28] =	ssyncadd.s32 $0xFFFFFF80  }
0x3f: {  	[tilespmem:s20], [sflag:s21] =	stream.linear.gather [hbm4b:s22+s3], $0x80, $0x38;
	[tilespmem:$0x17E00] =	vst v63  }
0x40: {  	_ =	swait.ge @!p0 [sflag:s23], $0x4000  }
0x41: {  	[sflag:s23] =	ssyncset.done @!p0 $0x0  }
0x42: {  	[sflag:s23] =	ssyncadd.s32 @!p0 $0xFFFFC000;
	p0 =	seq.s32 s24, $0x1  }
0x43: {  	v2 =	vld @p0 [tilespmem:$0xF0]  }
0x44: {  	v5 =	vld @p0 [tilespmem:$0xE0]  }
.Ltmp0:
0x45: {  	v4 =	vld @p0 [tilespmem:$0xD0];
	(pc) =	sbr.rel @p1 .LBB2_2-.Ltmp0, $4  }
0x46: {  	v3 =	vld @p0 [tilespmem:$0x90]  }
0x47: {  	v1 =	vld @p0 [tilespmem:$0xC0]  }
0x48: {  	v0 =	vld @p0 [tilespmem:$0xA0];
	[tilespmem:$0x1F0] =	vst @p0 v2  }
0x49: {  	v2 =	vld @p0 [tilespmem:$0xB0];
	[tilespmem:$0x1E0] =	vst @p0 v5  }
0x4a: {  	v5 =	vld @p0 [tilespmem:$0x80];
	[tilespmem:$0x1D0] =	vst @p0 v4  }
0x4b: {  	[tilespmem:$0x190] =	vst @p0 v3  }
0x4c: {  	[tilespmem:$0x1C0] =	vst @p0 v1  }
0x4d: {  	[tilespmem:$0x1A0] =	vst @p0 v0  }
0x4e: {  	[tilespmem:$0x1B0] =	vst @p0 v2  }
0x4f: {  	s19 =	simm.s32 @p0 $0x80;
	s20 =	simm.s32 @p0 $0x180;
	s21 =	simm.s32 @p0 $0x200;
	[tilespmem:$0x180] =	vst @p0 v5  }
0x50: {  	[spmem:s2] =	stream.indirect.scatter.add.f32 @p0 [tilespmem:s21], [sflag:$0x4], $0x80, s20, s19, $0xb8;
	[tilespmem:$0x17E00] =	vst v63  }
0x51: {  	v0 =	vld @!p0 [tilespmem:$0x70]  }
0x52: {  	v1 =	vld @!p0 [tilespmem:$0x60]  }
0x53: {  	v2 =	vld @!p0 [tilespmem:$0x30]  }
0x54: {  	v3 =	vld @!p0 [tilespmem:$0x40]  }
0x55: {  	v4 =	vld @!p0 [tilespmem:$0x0]  }
0x56: {  	v5 =	vld @!p0 [tilespmem:$0x50];
	[tilespmem:$0x170] =	vst @!p0 v0  }
0x57: {  	v0 =	vld @!p0 [tilespmem:$0x20];
	[tilespmem:$0x160] =	vst @!p0 v1  }
0x58: {  	v1 =	vld @!p0 [tilespmem:$0x10];
	[tilespmem:$0x130] =	vst @!p0 v2  }
0x59: {  	[tilespmem:$0x140] =	vst @!p0 v3  }
0x5a: {  	[tilespmem:$0x100] =	vst @!p0 v4  }
0x5b: {  	[tilespmem:$0x150] =	vst @!p0 v5  }
0x5c: {  	[tilespmem:$0x120] =	vst @!p0 v0  }
0x5d: {  	s19 =	simm.s32 @!p0 $0x200;
	s20 =	simm.s32 @!p0 $0x80;
	s21 =	simm.s32 @!p0 $0x100;
	[tilespmem:$0x110] =	vst @!p0 v1  }
0x5e: {  	[spmem:s2] =	stream.indirect.scatter.add.f32 @!p0 [tilespmem:s19], [sflag:$0x3], $0x80, s21, s20, $0xb8;
	[tilespmem:$0x17E00] =	vst v63  }
0x5f: {  	_ =	swait.ge [sflag:s15], $0x80  }
0x60: {  	[sflag:s15] =	ssyncset.done $0x0  }
0x61: {  	[sflag:s15] =	ssyncadd.s32 $0xFFFFFF80  }
0x62: {  	_ =	swait.ge [sflag:s16], $0x4000  }
0x63: {  	[sflag:s16] =	ssyncset.done $0x0  }
0x64: {  	[sflag:s16] =	ssyncadd.s32 $0xFFFFC000  }
0x65: {  	_ =	swait.ge [sflag:s17], $0x4000  }
0x66: {  	s18 =	sadd.s32 $0x1, s18;
	[sflag:s17] =	ssyncset.done $0x0  }
0x67: {  	p0 =	sne.s32 s18, s11;
	[sflag:s17] =	ssyncadd.s32 $0xFFFFC000  }
.Ltmp1:
0x68: {  	[bflag:$0x0] =	sbarrier.arrive $0xFFFF;
	(pc) =	sbr.rel @p0 .LBB2_1-.Ltmp1, $4  }
0x69: {  	[hbm:s10], [sflag:s7] =	dma.local [spmem:s12], $0x2780  }
0x6a: {  	_ =	swait.ge [sflag:s13], $0x2780  }
0x6b: {  	[sflag:s13] =	ssyncset.done $0x0  }
0x6c: {  	[sflag:s13] =	ssyncadd.s32 $0xFFFFD880  }
0x6d: {  	_ =	sfence.sel $0x180000  }
0x6e: {  	[bflag:$0x0] =	sbarrier.arrive $0xFFFF  }
0x6f: {  	p0 =	sne.s32 s0, $0x0;
	_ =	strace $0x9000004A  }
0x70: {  	s0 =	sadd.s32 @!p0 $0x100000, s1;
	[bflag:$0x2] =	sbarrier.arrive $0xFFFF  }
0x71: {  	[sflag:s0] =	ssyncadd.tile.s32 @!p0 $0x1;
	_ =	shalt  }
.Lfunc_end2:
_tile_overlayer_lowered:
.L_overlay_start_2:
0x72: {  	(tag) =	ssettag $0x2  }
0x73: {  	s0 =	rddreg [dreg:$0x0];
	s2 =	stileid.u32  }
0x74: {  	s1 =	rddreg [dreg:$0x1];
	p0 =	sne.s32 s2, $0x0  }
0x75: {  	s3 =	rddreg [dreg:$0x2];
	[bflag:$0x3] =	sbarrier.arrive $0xFFFF;
	s2 =	simm.s32 @!p0 $0x1C05  }
0x76: {  	[timem:s3], [sflag:s2] =	dma.local @!p0 [hbm:s0], s1  }
0x77: {  	s0 =	simm.s32 @!p0 $0x5  }
0x78: {  	_ =	swait.ge @!p0 [sflag:s0], s1  }
0x79: {  	s1 =	ssub.s32 @!p0 $0x0, s1;
	[sflag:s0] =	ssyncset.done @!p0 $0x0  }
0x7a: {  	[sflag:s0] =	ssyncadd.s32 @!p0 s1  }
0x7b: {  	[bflag:$0x3] =	sbarrier.arrive $0xFFFF  }
0x7c: {  	_ =	shalt  }

</sc_bundles>
